<compile_context>
chip_gen: v7x
topology: tpu7x:2x2x1
jax: 0.10.2.dev20260603
libtpu: 0.0.44.dev20260713+nightly
codegen_flags: <defaults>
</compile_context>

<pallas_src>
import functools
import math

import jax
import jax.numpy as jnp
from jax import lax
from jax.experimental import pallas as pl
from jax.experimental.pallas import tpu as pltpu
from jax.experimental.pallas import tpu_sc as plsc

D = 64
SEQ = 50
SUB = 100
CHUNK = 2 * SUB
NBUF = 4


def _sc_geometry():
    try:
        info = plsc.get_sparse_core_info()
        return info.num_cores, info.num_subcores
    except Exception:
        return 2, 16


def _build_sc_kernel(n_rows, nc, ns):
    nw = nc * ns
    rpw = n_rows // nw
    n_chunks = rpw // CHUNK
    subs_per_w = rpw // SUB
    n_rounds = n_chunks // NBUF

    mesh = plsc.VectorSubcoreMesh(core_axis_name="c", subcore_axis_name="s")

    @functools.partial(
        pl.kernel,
        out_type=jax.ShapeDtypeStruct((n_rows, D), jnp.float32),
        mesh=mesh,
        scratch_types=[
            pltpu.VMEM((subs_per_w, SUB), jnp.int32),
            pltpu.VMEM((SEQ, D), jnp.float32),
        ] + [pltpu.VMEM((CHUNK, D), jnp.float32) for _ in range(NBUF)]
          + [pltpu.SemaphoreType.DMA for _ in range(2 * NBUF)],
        compiler_params=pltpu.CompilerParams(use_tc_tiling_on_sc=False),
    )
    def k(idx_hbm, table_hbm, pe_hbm, out_hbm, idx_v, pe_v, *bufs_and_sems):
        bufs = bufs_and_sems[:NBUF]
        sem_g = bufs_and_sems[NBUF:2 * NBUF]
        sem_w = bufs_and_sems[2 * NBUF:]

        cid = lax.axis_index("c")
        sid = lax.axis_index("s")
        wid = sid * nc + cid
        base = wid * rpw

        pltpu.sync_copy(idx_hbm.at[pl.ds(wid * subs_per_w, subs_per_w)], idx_v)
        pltpu.sync_copy(pe_hbm, pe_v)

        def gather_start(cj, b):
            pltpu.async_copy(
                table_hbm.at[idx_v.at[2 * cj]], bufs[b].at[pl.ds(0, SUB)], sem_g[b])
            pltpu.async_copy(
                table_hbm.at[idx_v.at[2 * cj + 1]], bufs[b].at[pl.ds(SUB, SUB)],
                sem_g[b])

        def gather_wait(cj, b):
            pltpu.make_async_copy(
                table_hbm.at[idx_v.at[2 * cj]], bufs[b].at[pl.ds(0, SUB)],
                sem_g[b]).wait()
            pltpu.make_async_copy(
                table_hbm.at[idx_v.at[2 * cj + 1]], bufs[b].at[pl.ds(SUB, SUB)],
                sem_g[b]).wait()

        def wb_start(cj, b):
            pltpu.async_copy(
                bufs[b], out_hbm.at[pl.ds(base + cj * CHUNK, CHUNK)], sem_w[b])

        def wb_wait(cj, b):
            pltpu.make_async_copy(
                bufs[b], out_hbm.at[pl.ds(base + cj * CHUNK, CHUNK)],
                sem_w[b]).wait()

        def vecpass(b):
            buf = bufs[b]

            def pos_body(pos, carry):
                for l in range(D // 16):
                    sl = pl.ds(16 * l, 16)
                    pv = pe_v[pos, sl]
                    for kk in range(CHUNK // SEQ):
                        r = pos + SEQ * kk
                        buf[r, sl] = buf[r, sl] + pv
                return carry

            lax.fori_loop(0, SEQ, pos_body, 0)

        gather_start(0, 0)

        def round_body(c4, carry):
            for j in range(NBUF):
                cj = NBUF * c4 + j
                nxt = (j + 1) % NBUF
                if j == NBUF - 1:
                    wb_wait(cj - (NBUF - 1), nxt)

                    @pl.when(cj + 1 < n_chunks)
                    def _():
                        gather_start(cj + 1, nxt)
                else:
                    @pl.when(c4 > 0)
                    def _():
                        wb_wait(cj - (NBUF - 1), nxt)

                    gather_start(cj + 1, nxt)
                gather_wait(cj, j)
                vecpass(j)
                wb_start(cj, j)
            return carry

        lax.fori_loop(0, n_rounds, round_body, 0)

        for j in range(1, NBUF):
            wb_wait(n_chunks - NBUF + j, j)

    return k


_T_COLS = 16384


def _build_tc_transpose(v):
    grid = (v + _T_COLS - 1) // _T_COLS
    half = _T_COLS // 2
    scale = float(math.sqrt(D))

    def body(tw_ref, out_ref):
        x = tw_ref[...]
        y = jnp.swapaxes(x, 0, 1)
        out_ref[:, 0:D] = y[0:half, :] * scale
        out_ref[:, D:2 * D] = y[half:_T_COLS, :] * scale

    return grid, pl.pallas_call(
        body,
        grid=(grid,),
        in_specs=[pl.BlockSpec((D, _T_COLS), lambda i: (0, i))],
        out_specs=pl.BlockSpec((half, 2 * D), lambda i: (i, 0)),
        out_shape=jax.ShapeDtypeStruct((grid * half, 2 * D), jnp.float32),
    )


def kernel(encoded_words, embed_weight, pe):
    batch, seq = encoded_words.shape
    n_rows = batch * seq
    v = embed_weight.shape[0]
    pe2 = pe.reshape(SEQ, D)
    nc, ns = _sc_geometry()
    _, transpose_fn = _build_tc_transpose(v)
    t128 = transpose_fn(embed_weight.T)
    table_scaled = t128.reshape(-1, D)
    i = encoded_words.reshape(-1).astype(jnp.int32)
    half = _T_COLS // 2
    j = ((i // _T_COLS) * _T_COLS + (i % half) * 2 + (i % _T_COLS) // half)
    idx = j.reshape(-1, SUB)
    out = _build_sc_kernel(n_rows, nc, ns)(idx, table_scaled, pe2)
    return out.reshape(batch, seq, D)

# --- scband reference (transcript-rebuilt; emitter-appended) ---
"""Pipeline reference for scband-embeddings-13348758356497 (READ-ONLY COPY).

The authoritative reference and input builder live on the scoring server;
editing this copy changes nothing except your own understanding.
"""

import jax, jax.numpy as jnp
import numpy as np
import math

VOCAB_SIZE = 1000000
D_MODEL = 64
MAX_LEN = 50
BATCH = 4096
SEQ_LEN = 50


def create_positional_encoding(max_len, d_model):
    pe = np.zeros((max_len, d_model), dtype=np.float32)
    for pos in range(max_len):
        for i in range(0, d_model, 2):
            pe[pos, i] = math.sin(pos / 10000 ** (2 * i / d_model))
            pe[pos, i + 1] = math.cos(pos / 10000 ** (2 * (i + 1) / d_model))
    return jnp.asarray(pe)[None]  # [1, max_len, d_model]


def setup_inputs(seed: int = 0) -> dict:
    key = jax.random.key(seed)
    k_idx, k_tab = jax.random.split(key)
    encoded_words = jax.random.randint(k_idx, (BATCH, SEQ_LEN), 0, VOCAB_SIZE, dtype=jnp.int64)
    embed_weight = jax.random.normal(k_tab, (VOCAB_SIZE, D_MODEL), dtype=jnp.float32)
    pe = create_positional_encoding(MAX_LEN, D_MODEL)
    return {"encoded_words": encoded_words, "embed_weight": embed_weight, "pe": pe}


def reference(encoded_words, embed_weight, pe):
    d_model = embed_weight.shape[1]
    # gather: embedding lookup (SparseCore-mappable)
    embedding = jnp.take(embed_weight, encoded_words, axis=0) * math.sqrt(d_model)
    embedding = embedding + pe[:, :embedding.shape[1]]
    # dropout is identity in eval mode
    return embedding

if __name__ == "__main__":
    import jax
    _d = setup_inputs()
    print(jax.jit(kernel)(*tuple(_d.values())))

</pallas_src>

<mosaic_0001>
#map = affine_map<(d0, d1) -> (0, 0)>
module attributes {stable_mosaic.version = 14 : i64} {
  func.func @k(%arg0: i32, %arg1: i32, %arg2: memref<2048x100xi32, #tpu.memory_space<hbm>>, %arg3: memref<1015808x64xf32, #tpu.memory_space<hbm>>, %arg4: memref<50x64xf32, #tpu.memory_space<hbm>>, %arg5: memref<204800x64xf32, #tpu.memory_space<hbm>>, %arg6: memref<64x100xi32, #tpu.memory_space<vmem>>, %arg7: memref<50x64xf32, #tpu.memory_space<vmem>>, %arg8: memref<200x64xf32, #tpu.memory_space<vmem>>, %arg9: memref<200x64xf32, #tpu.memory_space<vmem>>, %arg10: memref<200x64xf32, #tpu.memory_space<vmem>>, %arg11: memref<200x64xf32, #tpu.memory_space<vmem>>, %arg12: memref<!tpu.dma_semaphore, #tpu.memory_space<semaphore_mem>>, %arg13: memref<!tpu.dma_semaphore, #tpu.memory_space<semaphore_mem>>, %arg14: memref<!tpu.dma_semaphore, #tpu.memory_space<semaphore_mem>>, %arg15: memref<!tpu.dma_semaphore, #tpu.memory_space<semaphore_mem>>, %arg16: memref<!tpu.dma_semaphore, #tpu.memory_space<semaphore_mem>>, %arg17: memref<!tpu.dma_semaphore, #tpu.memory_space<semaphore_mem>>, %arg18: memref<!tpu.dma_semaphore, #tpu.memory_space<semaphore_mem>>, %arg19: memref<!tpu.dma_semaphore, #tpu.memory_space<semaphore_mem>>) attributes {dimension_semantics = [#tpu.dimension_semantics<core_parallel>, #tpu.dimension_semantics<subcore_parallel>], iteration_bounds = array<i64: 2, 16>, scalar_prefetch = 0 : i64, scratch_operands = 14 : i64, tpu.core_type = #tpu.core_type<sc_vector_subcore>, window_params = [{transform_indices = #map}, {transform_indices = #map}, {transform_indices = #map}, {transform_indices = #map}]} {
    %mul3A = arith.constant 2 : i32
    %mul3A_0 = arith.muli %arg1, %mul3A : i32
    %add3A = arith.addi %mul3A_0, %arg0 : i32
    %mul3A_1 = arith.constant 6400 : i32
    %mul3A_2 = arith.muli %add3A, %mul3A_1 : i32
    %mul3A_3 = arith.constant 64 : i32
    %mul3A_4 = arith.muli %add3A, %mul3A_3 : i32
    "tpu.region"() ({
      %run_scoped3A = tpu.sem_alloc : memref<!tpu.dma_semaphore, #tpu.memory_space<semaphore_mem>>
      %dma_start3A_46 = arith.constant 0 : i32
      %dma_start3A_47 = tpu.memref_slice %arg2[%mul3A_4, %dma_start3A_46] : memref<2048x100xi32, #tpu.memory_space<hbm>> -> memref<64x100xi32, #tpu.memory_space<hbm>>
      %dma_start3A_48 = arith.constant 0 : i32
      %dma_start3A_49 = tpu.memref_slice %arg2[%mul3A_4, %dma_start3A_48] : memref<2048x100xi32, #tpu.memory_space<hbm>> -> memref<64x100xi32, #tpu.memory_space<hbm>>
      tpu.enqueue_dma source(%dma_start3A_49 : memref<64x100xi32, #tpu.memory_space<hbm>>) target(%arg6 : memref<64x100xi32, #tpu.memory_space<vmem>>) target_semaphore(%run_scoped3A : memref<!tpu.dma_semaphore, #tpu.memory_space<semaphore_mem>>)
      %dma_wait3A_50 = arith.constant 0 : i32
      %dma_wait3A_51 = tpu.memref_slice %arg2[%mul3A_4, %dma_wait3A_50] : memref<2048x100xi32, #tpu.memory_space<hbm>> -> memref<64x100xi32, #tpu.memory_space<hbm>>
      %dma_wait3A_52 = arith.constant 0 : i32
      %dma_wait3A_53 = tpu.memref_slice %arg2[%mul3A_4, %dma_wait3A_52] : memref<2048x100xi32, #tpu.memory_space<hbm>> -> memref<64x100xi32, #tpu.memory_space<hbm>>
      tpu.wait_dma2 semaphore(%run_scoped3A : memref<!tpu.dma_semaphore, #tpu.memory_space<semaphore_mem>>) src(%dma_wait3A_53 : memref<64x100xi32, #tpu.memory_space<hbm>>) dst(%arg6 : memref<64x100xi32, #tpu.memory_space<vmem>>)
      tpu.yield
    }) : () -> ()
    "tpu.region"() ({
      %run_scoped3A = tpu.sem_alloc : memref<!tpu.dma_semaphore, #tpu.memory_space<semaphore_mem>>
      tpu.enqueue_dma source(%arg4 : memref<50x64xf32, #tpu.memory_space<hbm>>) target(%arg7 : memref<50x64xf32, #tpu.memory_space<vmem>>) target_semaphore(%run_scoped3A : memref<!tpu.dma_semaphore, #tpu.memory_space<semaphore_mem>>)
      tpu.wait_dma2 semaphore(%run_scoped3A : memref<!tpu.dma_semaphore, #tpu.memory_space<semaphore_mem>>) src(%arg4 : memref<50x64xf32, #tpu.memory_space<hbm>>) dst(%arg7 : memref<50x64xf32, #tpu.memory_space<vmem>>)
      tpu.yield
    }) : () -> ()
    %dma_start3A = arith.constant 0 : i32
    %dma_start3A_5 = arith.constant 0 : i32
    %dma_start3A_6 = arith.constant 0 : i32
    %dma_start3A_7 = tpu.memref_slice %arg8[%dma_start3A_5, %dma_start3A_6] : memref<200x64xf32, #tpu.memory_space<vmem>> -> memref<100x64xf32, #tpu.memory_space<vmem>>
    %dma_start3A_8 = arith.constant 0 : i32
    %dma_start3A_9 = tpu.memref_slice %arg6[%dma_start3A, %dma_start3A_8] : memref<64x100xi32, #tpu.memory_space<vmem>> -> memref<1x100xi32, #tpu.memory_space<vmem>>
    %dma_start3A_10 = tpu.memref_squeeze %dma_start3A_9 : memref<1x100xi32, #tpu.memory_space<vmem>> -> memref<100xi32, #tpu.memory_space<vmem>>
    %dma_start3A_11 = arith.constant 0 : i32
    %dma_start3A_12 = arith.constant 0 : i32
    %dma_start3A_13 = tpu.memref_slice %arg3[%dma_start3A_11, %dma_start3A_12] : memref<1015808x64xf32, #tpu.memory_space<hbm>> -> memref<1015808x64xf32, #tpu.memory_space<hbm>>
    tpu.enqueue_indirect_dma source(%dma_start3A_13 : memref<1015808x64xf32, #tpu.memory_space<hbm>>) target(%dma_start3A_7 : memref<100x64xf32, #tpu.memory_space<vmem>>) offsets(%dma_start3A_10 : memref<100xi32, #tpu.memory_space<vmem>>) semaphore(%arg12 : memref<!tpu.dma_semaphore, #tpu.memory_space<semaphore_mem>>)
    %dma_start3A_14 = arith.constant 1 : i32
    %dma_start3A_15 = arith.constant 100 : i32
    %dma_start3A_16 = arith.constant 0 : i32
    %dma_start3A_17 = tpu.memref_slice %arg8[%dma_start3A_15, %dma_start3A_16] : memref<200x64xf32, #tpu.memory_space<vmem>> -> memref<100x64xf32, #tpu.memory_space<vmem>>
    %dma_start3A_18 = arith.constant 0 : i32
    %dma_start3A_19 = tpu.memref_slice %arg6[%dma_start3A_14, %dma_start3A_18] : memref<64x100xi32, #tpu.memory_space<vmem>> -> memref<1x100xi32, #tpu.memory_space<vmem>>
    %dma_start3A_20 = tpu.memref_squeeze %dma_start3A_19 : memref<1x100xi32, #tpu.memory_space<vmem>> -> memref<100xi32, #tpu.memory_space<vmem>>
    %dma_start3A_21 = arith.constant 0 : i32
    %dma_start3A_22 = arith.constant 0 : i32
    %dma_start3A_23 = tpu.memref_slice %arg3[%dma_start3A_21, %dma_start3A_22] : memref<1015808x64xf32, #tpu.memory_space<hbm>> -> memref<1015808x64xf32, #tpu.memory_space<hbm>>
    tpu.enqueue_indirect_dma source(%dma_start3A_23 : memref<1015808x64xf32, #tpu.memory_space<hbm>>) target(%dma_start3A_17 : memref<100x64xf32, #tpu.memory_space<vmem>>) offsets(%dma_start3A_20 : memref<100xi32, #tpu.memory_space<vmem>>) semaphore(%arg12 : memref<!tpu.dma_semaphore, #tpu.memory_space<semaphore_mem>>)
    %scan3A = arith.constant 0 : i32
    %scan3A_24 = arith.constant 0 : i32
    %scan3A_25 = arith.constant 8 : i32
    %scan3A_26 = arith.addi %scan3A_24, %scan3A_25 : i32
    %scan3A_27 = arith.constant 1 : i32
    scf.for %scan3A_46 = %scan3A_24 to %scan3A_26 step %scan3A_27  : i32 {
      %mul3A_47 = arith.constant 4 : i32
      %mul3A_48 = arith.muli %mul3A_47, %scan3A_46 : i32
      %add3A_49 = arith.constant 0 : i32
      %add3A_50 = arith.addi %mul3A_48, %add3A_49 : i32
      %gt3A = arith.constant 0 : i32
      %gt3A_51 = arith.cmpi sgt, %scan3A_46, %gt3A : i32
      %convert_element_type3A = arith.extui %gt3A_51 : i1 to i32
      %cond3A = arith.constant 0 : i32
      %cond3A_52 = arith.cmpi ne, %convert_element_type3A, %cond3A : i32
      scf.if %cond3A_52 {
        %sub3A_315 = arith.constant 3 : i32
        %sub3A_316 = arith.subi %add3A_50, %sub3A_315 : i32
        %mul3A_317 = arith.constant 200 : i32
        %mul3A_318 = arith.muli %sub3A_316, %mul3A_317 : i32
        %add3A_319 = arith.addi %mul3A_2, %mul3A_318 : i32
        %dma_wait3A_320 = arith.constant 0 : i32
        %dma_wait3A_321 = tpu.memref_slice %arg5[%add3A_319, %dma_wait3A_320] : memref<204800x64xf32, #tpu.memory_space<hbm>> -> memref<200x64xf32, #tpu.memory_space<hbm>>
        %dma_wait3A_322 = arith.constant 0 : i32
        %dma_wait3A_323 = tpu.memref_slice %arg5[%add3A_319, %dma_wait3A_322] : memref<204800x64xf32, #tpu.memory_space<hbm>> -> memref<200x64xf32, #tpu.memory_space<hbm>>
        tpu.wait_dma2 semaphore(%arg17 : memref<!tpu.dma_semaphore, #tpu.memory_space<semaphore_mem>>) src(%arg9 : memref<200x64xf32, #tpu.memory_space<vmem>>) dst(%dma_wait3A_323 : memref<200x64xf32, #tpu.memory_space<hbm>>)
      } else {
      }
      %add3A_53 = arith.constant 1 : i32
      %add3A_54 = arith.addi %add3A_50, %add3A_53 : i32
      %mul3A_55 = arith.constant 2 : i32
      %mul3A_56 = arith.muli %mul3A_55, %add3A_54 : i32
      %dma_start3A_57 = arith.constant 0 : i32
      %dma_start3A_58 = arith.constant 0 : i32
      %dma_start3A_59 = tpu.memref_slice %arg9[%dma_start3A_57, %dma_start3A_58] : memref<200x64xf32, #tpu.memory_space<vmem>> -> memref<100x64xf32, #tpu.memory_space<vmem>>
      %dma_start3A_60 = arith.constant 0 : i32
      %dma_start3A_61 = tpu.memref_slice %arg6[%mul3A_56, %dma_start3A_60] : memref<64x100xi32, #tpu.memory_space<vmem>> -> memref<1x100xi32, #tpu.memory_space<vmem>>
      %dma_start3A_62 = tpu.memref_squeeze %dma_start3A_61 : memref<1x100xi32, #tpu.memory_space<vmem>> -> memref<100xi32, #tpu.memory_space<vmem>>
      %dma_start3A_63 = arith.constant 0 : i32
      %dma_start3A_64 = arith.constant 0 : i32
      %dma_start3A_65 = tpu.memref_slice %arg3[%dma_start3A_63, %dma_start3A_64] : memref<1015808x64xf32, #tpu.memory_space<hbm>> -> memref<1015808x64xf32, #tpu.memory_space<hbm>>
      tpu.enqueue_indirect_dma source(%dma_start3A_65 : memref<1015808x64xf32, #tpu.memory_space<hbm>>) target(%dma_start3A_59 : memref<100x64xf32, #tpu.memory_space<vmem>>) offsets(%dma_start3A_62 : memref<100xi32, #tpu.memory_space<vmem>>) semaphore(%arg13 : memref<!tpu.dma_semaphore, #tpu.memory_space<semaphore_mem>>)
      %mul3A_66 = arith.constant 2 : i32
      %mul3A_67 = arith.muli %mul3A_66, %add3A_54 : i32
      %add3A_68 = arith.constant 1 : i32
      %add3A_69 = arith.addi %mul3A_67, %add3A_68 : i32
      %dma_start3A_70 = arith.constant 100 : i32
      %dma_start3A_71 = arith.constant 0 : i32
      %dma_start3A_72 = tpu.memref_slice %arg9[%dma_start3A_70, %dma_start3A_71] : memref<200x64xf32, #tpu.memory_space<vmem>> -> memref<100x64xf32, #tpu.memory_space<vmem>>
      %dma_start3A_73 = arith.constant 0 : i32
      %dma_start3A_74 = tpu.memref_slice %arg6[%add3A_69, %dma_start3A_73] : memref<64x100xi32, #tpu.memory_space<vmem>> -> memref<1x100xi32, #tpu.memory_space<vmem>>
      %dma_start3A_75 = tpu.memref_squeeze %dma_start3A_74 : memref<1x100xi32, #tpu.memory_space<vmem>> -> memref<100xi32, #tpu.memory_space<vmem>>
      %dma_start3A_76 = arith.constant 0 : i32
      %dma_start3A_77 = arith.constant 0 : i32
      %dma_start3A_78 = tpu.memref_slice %arg3[%dma_start3A_76, %dma_start3A_77] : memref<1015808x64xf32, #tpu.memory_space<hbm>> -> memref<1015808x64xf32, #tpu.memory_space<hbm>>
      tpu.enqueue_indirect_dma source(%dma_start3A_78 : memref<1015808x64xf32, #tpu.memory_space<hbm>>) target(%dma_start3A_72 : memref<100x64xf32, #tpu.memory_space<vmem>>) offsets(%dma_start3A_75 : memref<100xi32, #tpu.memory_space<vmem>>) semaphore(%arg13 : memref<!tpu.dma_semaphore, #tpu.memory_space<semaphore_mem>>)
      %mul3A_79 = arith.constant 2 : i32
      %mul3A_80 = arith.muli %mul3A_79, %add3A_50 : i32
      %dma_wait3A_81 = arith.constant 0 : i32
      %dma_wait3A_82 = arith.constant 0 : i32
      %dma_wait3A_83 = tpu.memref_slice %arg8[%dma_wait3A_81, %dma_wait3A_82] : memref<200x64xf32, #tpu.memory_space<vmem>> -> memref<100x64xf32, #tpu.memory_space<vmem>>
      %dma_wait3A_84 = arith.constant 0 : i32
      %dma_wait3A_85 = tpu.memref_slice %arg6[%mul3A_80, %dma_wait3A_84] : memref<64x100xi32, #tpu.memory_space<vmem>> -> memref<1x100xi32, #tpu.memory_space<vmem>>
      %dma_wait3A_86 = tpu.memref_squeeze %dma_wait3A_85 : memref<1x100xi32, #tpu.memory_space<vmem>> -> memref<100xi32, #tpu.memory_space<vmem>>
      %dma_wait3A_87 = arith.constant 0 : i32
      %dma_wait3A_88 = arith.constant 0 : i32
      %dma_wait3A_89 = tpu.memref_slice %arg3[%dma_wait3A_87, %dma_wait3A_88] : memref<1015808x64xf32, #tpu.memory_space<hbm>> -> memref<1015808x64xf32, #tpu.memory_space<hbm>>
      tpu.wait_indirect_dma semaphore(%arg12 : memref<!tpu.dma_semaphore, #tpu.memory_space<semaphore_mem>>) src(%dma_wait3A_89 : memref<1015808x64xf32, #tpu.memory_space<hbm>>) dst(%dma_wait3A_83 : memref<100x64xf32, #tpu.memory_space<vmem>>)
      %mul3A_90 = arith.constant 2 : i32
      %mul3A_91 = arith.muli %mul3A_90, %add3A_50 : i32
      %add3A_92 = arith.constant 1 : i32
      %add3A_93 = arith.addi %mul3A_91, %add3A_92 : i32
      %dma_wait3A_94 = arith.constant 100 : i32
      %dma_wait3A_95 = arith.constant 0 : i32
      %dma_wait3A_96 = tpu.memref_slice %arg8[%dma_wait3A_94, %dma_wait3A_95] : memref<200x64xf32, #tpu.memory_space<vmem>> -> memref<100x64xf32, #tpu.memory_space<vmem>>
      %dma_wait3A_97 = arith.constant 0 : i32
      %dma_wait3A_98 = tpu.memref_slice %arg6[%add3A_93, %dma_wait3A_97] : memref<64x100xi32, #tpu.memory_space<vmem>> -> memref<1x100xi32, #tpu.memory_space<vmem>>
      %dma_wait3A_99 = tpu.memref_squeeze %dma_wait3A_98 : memref<1x100xi32, #tpu.memory_space<vmem>> -> memref<100xi32, #tpu.memory_space<vmem>>
      %dma_wait3A_100 = arith.constant 0 : i32
      %dma_wait3A_101 = arith.constant 0 : i32
      %dma_wait3A_102 = tpu.memref_slice %arg3[%dma_wait3A_100, %dma_wait3A_101] : memref<1015808x64xf32, #tpu.memory_space<hbm>> -> memref<1015808x64xf32, #tpu.memory_space<hbm>>
      tpu.wait_indirect_dma semaphore(%arg12 : memref<!tpu.dma_semaphore, #tpu.memory_space<semaphore_mem>>) src(%dma_wait3A_102 : memref<1015808x64xf32, #tpu.memory_space<hbm>>) dst(%dma_wait3A_96 : memref<100x64xf32, #tpu.memory_space<vmem>>)
      %scan3A_103 = arith.constant 0 : i32
      %scan3A_104 = arith.constant 0 : i32
      %scan3A_105 = arith.constant 50 : i32
      %scan3A_106 = arith.addi %scan3A_104, %scan3A_105 : i32
      %scan3A_107 = arith.constant 1 : i32
      scf.for %scan3A_315 = %scan3A_104 to %scan3A_106 step %scan3A_107  : i32 {
        %get3A = arith.index_cast %scan3A_315 : i32 to index
        %get3A_316 = arith.constant 0 : index
        %get3A_317 = tpu.vector_load %arg7[%get3A, %get3A_316] {strides = array<i32>} : memref<50x64xf32, #tpu.memory_space<vmem>>, vector<1x16xf32>,
        %get3A_318 = vector.shape_cast %get3A_317 : vector<1x16xf32> to vector<16xf32>
        %add3A_319 = arith.constant 0 : i32
        %add3A_320 = arith.addi %scan3A_315, %add3A_319 : i32
        %get3A_321 = arith.index_cast %add3A_320 : i32 to index
        %get3A_322 = arith.constant 0 : index
        %get3A_323 = tpu.vector_load %arg8[%get3A_321, %get3A_322] {strides = array<i32>} : memref<200x64xf32, #tpu.memory_space<vmem>>, vector<1x16xf32>,
        %get3A_324 = vector.shape_cast %get3A_323 : vector<1x16xf32> to vector<16xf32>
        %add3A_325 = arith.addf %get3A_324, %get3A_318 : vector<16xf32>
        %swap3A = arith.index_cast %add3A_320 : i32 to index
        %swap3A_326 = arith.constant 0 : index
        %swap3A_327 = tpu.vector_load %arg8[%swap3A, %swap3A_326] {strides = array<i32>} : memref<200x64xf32, #tpu.memory_space<vmem>>, vector<1x16xf32>,
        %swap3A_328 = vector.shape_cast %swap3A_327 : vector<1x16xf32> to vector<16xf32>
        %swap3A_329 = vector.shape_cast %add3A_325 : vector<16xf32> to vector<1x16xf32>
        tpu.vector_store %arg8[%swap3A, %swap3A_326], %swap3A_329 {strides = array<i32>} : memref<200x64xf32, #tpu.memory_space<vmem>>, vector<1x16xf32>,
        %add3A_330 = arith.constant 50 : i32
        %add3A_331 = arith.addi %scan3A_315, %add3A_330 : i32
        %get3A_332 = arith.index_cast %add3A_331 : i32 to index
        %get3A_333 = arith.constant 0 : index
        %get3A_334 = tpu.vector_load %arg8[%get3A_332, %get3A_333] {strides = array<i32>} : memref<200x64xf32, #tpu.memory_space<vmem>>, vector<1x16xf32>,
        %get3A_335 = vector.shape_cast %get3A_334 : vector<1x16xf32> to vector<16xf32>
        %add3A_336 = arith.addf %get3A_335, %get3A_318 : vector<16xf32>
        %swap3A_337 = arith.index_cast %add3A_331 : i32 to index
        %swap3A_338 = arith.constant 0 : index
        %swap3A_339 = tpu.vector_load %arg8[%swap3A_337, %swap3A_338] {strides = array<i32>} : memref<200x64xf32, #tpu.memory_space<vmem>>, vector<1x16xf32>,
        %swap3A_340 = vector.shape_cast %swap3A_339 : vector<1x16xf32> to vector<16xf32>
        %swap3A_341 = vector.shape_cast %add3A_336 : vector<16xf32> to vector<1x16xf32>
        tpu.vector_store %arg8[%swap3A_337, %swap3A_338], %swap3A_341 {strides = array<i32>} : memref<200x64xf32, #tpu.memory_space<vmem>>, vector<1x16xf32>,
        %add3A_342 = arith.constant 100 : i32
        %add3A_343 = arith.addi %scan3A_315, %add3A_342 : i32
        %get3A_344 = arith.index_cast %add3A_343 : i32 to index
        %get3A_345 = arith.constant 0 : index
        %get3A_346 = tpu.vector_load %arg8[%get3A_344, %get3A_345] {strides = array<i32>} : memref<200x64xf32, #tpu.memory_space<vmem>>, vector<1x16xf32>,
        %get3A_347 = vector.shape_cast %get3A_346 : vector<1x16xf32> to vector<16xf32>
        %add3A_348 = arith.addf %get3A_347, %get3A_318 : vector<16xf32>
        %swap3A_349 = arith.index_cast %add3A_343 : i32 to index
        %swap3A_350 = arith.constant 0 : index
        %swap3A_351 = tpu.vector_load %arg8[%swap3A_349, %swap3A_350] {strides = array<i32>} : memref<200x64xf32, #tpu.memory_space<vmem>>, vector<1x16xf32>,
        %swap3A_352 = vector.shape_cast %swap3A_351 : vector<1x16xf32> to vector<16xf32>
        %swap3A_353 = vector.shape_cast %add3A_348 : vector<16xf32> to vector<1x16xf32>
        tpu.vector_store %arg8[%swap3A_349, %swap3A_350], %swap3A_353 {strides = array<i32>} : memref<200x64xf32, #tpu.memory_space<vmem>>, vector<1x16xf32>,
        %add3A_354 = arith.constant 150 : i32
        %add3A_355 = arith.addi %scan3A_315, %add3A_354 : i32
        %get3A_356 = arith.index_cast %add3A_355 : i32 to index
        %get3A_357 = arith.constant 0 : index
        %get3A_358 = tpu.vector_load %arg8[%get3A_356, %get3A_357] {strides = array<i32>} : memref<200x64xf32, #tpu.memory_space<vmem>>, vector<1x16xf32>,
        %get3A_359 = vector.shape_cast %get3A_358 : vector<1x16xf32> to vector<16xf32>
        %add3A_360 = arith.addf %get3A_359, %get3A_318 : vector<16xf32>
        %swap3A_361 = arith.index_cast %add3A_355 : i32 to index
        %swap3A_362 = arith.constant 0 : index
        %swap3A_363 = tpu.vector_load %arg8[%swap3A_361, %swap3A_362] {strides = array<i32>} : memref<200x64xf32, #tpu.memory_space<vmem>>, vector<1x16xf32>,
        %swap3A_364 = vector.shape_cast %swap3A_363 : vector<1x16xf32> to vector<16xf32>
        %swap3A_365 = vector.shape_cast %add3A_360 : vector<16xf32> to vector<1x16xf32>
        tpu.vector_store %arg8[%swap3A_361, %swap3A_362], %swap3A_365 {strides = array<i32>} : memref<200x64xf32, #tpu.memory_space<vmem>>, vector<1x16xf32>,
        %get3A_366 = arith.index_cast %scan3A_315 : i32 to index
        %get3A_367 = arith.constant 16 : index
        %get3A_368 = tpu.vector_load %arg7[%get3A_366, %get3A_367] {strides = array<i32>} : memref<50x64xf32, #tpu.memory_space<vmem>>, vector<1x16xf32>,
        %get3A_369 = vector.shape_cast %get3A_368 : vector<1x16xf32> to vector<16xf32>
        %add3A_370 = arith.constant 0 : i32
        %add3A_371 = arith.addi %scan3A_315, %add3A_370 : i32
        %get3A_372 = arith.index_cast %add3A_371 : i32 to index
        %get3A_373 = arith.constant 16 : index
        %get3A_374 = tpu.vector_load %arg8[%get3A_372, %get3A_373] {strides = array<i32>} : memref<200x64xf32, #tpu.memory_space<vmem>>, vector<1x16xf32>,
        %get3A_375 = vector.shape_cast %get3A_374 : vector<1x16xf32> to vector<16xf32>
        %add3A_376 = arith.addf %get3A_375, %get3A_369 : vector<16xf32>
        %swap3A_377 = arith.index_cast %add3A_371 : i32 to index
        %swap3A_378 = arith.constant 16 : index
        %swap3A_379 = tpu.vector_load %arg8[%swap3A_377, %swap3A_378] {strides = array<i32>} : memref<200x64xf32, #tpu.memory_space<vmem>>, vector<1x16xf32>,
        %swap3A_380 = vector.shape_cast %swap3A_379 : vector<1x16xf32> to vector<16xf32>
        %swap3A_381 = vector.shape_cast %add3A_376 : vector<16xf32> to vector<1x16xf32>
        tpu.vector_store %arg8[%swap3A_377, %swap3A_378], %swap3A_381 {strides = array<i32>} : memref<200x64xf32, #tpu.memory_space<vmem>>, vector<1x16xf32>,
        %add3A_382 = arith.constant 50 : i32
        %add3A_383 = arith.addi %scan3A_315, %add3A_382 : i32
        %get3A_384 = arith.index_cast %add3A_383 : i32 to index
        %get3A_385 = arith.constant 16 : index
        %get3A_386 = tpu.vector_load %arg8[%get3A_384, %get3A_385] {strides = array<i32>} : memref<200x64xf32, #tpu.memory_space<vmem>>, vector<1x16xf32>,
        %get3A_387 = vector.shape_cast %get3A_386 : vector<1x16xf32> to vector<16xf32>
        %add3A_388 = arith.addf %get3A_387, %get3A_369 : vector<16xf32>
        %swap3A_389 = arith.index_cast %add3A_383 : i32 to index
        %swap3A_390 = arith.constant 16 : index
        %swap3A_391 = tpu.vector_load %arg8[%swap3A_389, %swap3A_390] {strides = array<i32>} : memref<200x64xf32, #tpu.memory_space<vmem>>, vector<1x16xf32>,
        %swap3A_392 = vector.shape_cast %swap3A_391 : vector<1x16xf32> to vector<16xf32>
        %swap3A_393 = vector.shape_cast %add3A_388 : vector<16xf32> to vector<1x16xf32>
        tpu.vector_store %arg8[%swap3A_389, %swap3A_390], %swap3A_393 {strides = array<i32>} : memref<200x64xf32, #tpu.memory_space<vmem>>, vector<1x16xf32>,
        %add3A_394 = arith.constant 100 : i32
        %add3A_395 = arith.addi %scan3A_315, %add3A_394 : i32
        %get3A_396 = arith.index_cast %add3A_395 : i32 to index
        %get3A_397 = arith.constant 16 : index
        %get3A_398 = tpu.vector_load %arg8[%get3A_396, %get3A_397] {strides = array<i32>} : memref<200x64xf32, #tpu.memory_space<vmem>>, vector<1x16xf32>,
        %get3A_399 = vector.shape_cast %get3A_398 : vector<1x16xf32> to vector<16xf32>
        %add3A_400 = arith.addf %get3A_399, %get3A_369 : vector<16xf32>
        %swap3A_401 = arith.index_cast %add3A_395 : i32 to index
        %swap3A_402 = arith.constant 16 : index
        %swap3A_403 = tpu.vector_load %arg8[%swap3A_401, %swap3A_402] {strides = array<i32>} : memref<200x64xf32, #tpu.memory_space<vmem>>, vector<1x16xf32>,
        %swap3A_404 = vector.shape_cast %swap3A_403 : vector<1x16xf32> to vector<16xf32>
        %swap3A_405 = vector.shape_cast %add3A_400 : vector<16xf32> to vector<1x16xf32>
        tpu.vector_store %arg8[%swap3A_401, %swap3A_402], %swap3A_405 {strides = array<i32>} : memref<200x64xf32, #tpu.memory_space<vmem>>, vector<1x16xf32>,
        %add3A_406 = arith.constant 150 : i32
        %add3A_407 = arith.addi %scan3A_315, %add3A_406 : i32
        %get3A_408 = arith.index_cast %add3A_407 : i32 to index
        %get3A_409 = arith.constant 16 : index
        %get3A_410 = tpu.vector_load %arg8[%get3A_408, %get3A_409] {strides = array<i32>} : memref<200x64xf32, #tpu.memory_space<vmem>>, vector<1x16xf32>,
        %get3A_411 = vector.shape_cast %get3A_410 : vector<1x16xf32> to vector<16xf32>
        %add3A_412 = arith.addf %get3A_411, %get3A_369 : vector<16xf32>
        %swap3A_413 = arith.index_cast %add3A_407 : i32 to index
        %swap3A_414 = arith.constant 16 : index
        %swap3A_415 = tpu.vector_load %arg8[%swap3A_413, %swap3A_414] {strides = array<i32>} : memref<200x64xf32, #tpu.memory_space<vmem>>, vector<1x16xf32>,
        %swap3A_416 = vector.shape_cast %swap3A_415 : vector<1x16xf32> to vector<16xf32>
        %swap3A_417 = vector.shape_cast %add3A_412 : vector<16xf32> to vector<1x16xf32>
        tpu.vector_store %arg8[%swap3A_413, %swap3A_414], %swap3A_417 {strides = array<i32>} : memref<200x64xf32, #tpu.memory_space<vmem>>, vector<1x16xf32>,
        %get3A_418 = arith.index_cast %scan3A_315 : i32 to index
        %get3A_419 = arith.constant 32 : index
        %get3A_420 = tpu.vector_load %arg7[%get3A_418, %get3A_419] {strides = array<i32>} : memref<50x64xf32, #tpu.memory_space<vmem>>, vector<1x16xf32>,
        %get3A_421 = vector.shape_cast %get3A_420 : vector<1x16xf32> to vector<16xf32>
        %add3A_422 = arith.constant 0 : i32
        %add3A_423 = arith.addi %scan3A_315, %add3A_422 : i32
        %get3A_424 = arith.index_cast %add3A_423 : i32 to index
        %get3A_425 = arith.constant 32 : index
        %get3A_426 = tpu.vector_load %arg8[%get3A_424, %get3A_425] {strides = array<i32>} : memref<200x64xf32, #tpu.memory_space<vmem>>, vector<1x16xf32>,
        %get3A_427 = vector.shape_cast %get3A_426 : vector<1x16xf32> to vector<16xf32>
        %add3A_428 = arith.addf %get3A_427, %get3A_421 : vector<16xf32>
        %swap3A_429 = arith.index_cast %add3A_423 : i32 to index
        %swap3A_430 = arith.constant 32 : index
        %swap3A_431 = tpu.vector_load %arg8[%swap3A_429, %swap3A_430] {strides = array<i32>} : memref<200x64xf32, #tpu.memory_space<vmem>>, vector<1x16xf32>,
        %swap3A_432 = vector.shape_cast %swap3A_431 : vector<1x16xf32> to vector<16xf32>
        %swap3A_433 = vector.shape_cast %add3A_428 : vector<16xf32> to vector<1x16xf32>
        tpu.vector_store %arg8[%swap3A_429, %swap3A_430], %swap3A_433 {strides = array<i32>} : memref<200x64xf32, #tpu.memory_space<vmem>>, vector<1x16xf32>,
        %add3A_434 = arith.constant 50 : i32
        %add3A_435 = arith.addi %scan3A_315, %add3A_434 : i32
        %get3A_436 = arith.index_cast %add3A_435 : i32 to index
        %get3A_437 = arith.constant 32 : index
        %get3A_438 = tpu.vector_load %arg8[%get3A_436, %get3A_437] {strides = array<i32>} : memref<200x64xf32, #tpu.memory_space<vmem>>, vector<1x16xf32>,
        %get3A_439 = vector.shape_cast %get3A_438 : vector<1x16xf32> to vector<16xf32>
        %add3A_440 = arith.addf %get3A_439, %get3A_421 : vector<16xf32>
        %swap3A_441 = arith.index_cast %add3A_435 : i32 to index
        %swap3A_442 = arith.constant 32 : index
        %swap3A_443 = tpu.vector_load %arg8[%swap3A_441, %swap3A_442] {strides = array<i32>} : memref<200x64xf32, #tpu.memory_space<vmem>>, vector<1x16xf32>,
        %swap3A_444 = vector.shape_cast %swap3A_443 : vector<1x16xf32> to vector<16xf32>
        %swap3A_445 = vector.shape_cast %add3A_440 : vector<16xf32> to vector<1x16xf32>
        tpu.vector_store %arg8[%swap3A_441, %swap3A_442], %swap3A_445 {strides = array<i32>} : memref<200x64xf32, #tpu.memory_space<vmem>>, vector<1x16xf32>,
        %add3A_446 = arith.constant 100 : i32
        %add3A_447 = arith.addi %scan3A_315, %add3A_446 : i32
        %get3A_448 = arith.index_cast %add3A_447 : i32 to index
        %get3A_449 = arith.constant 32 : index
        %get3A_450 = tpu.vector_load %arg8[%get3A_448, %get3A_449] {strides = array<i32>} : memref<200x64xf32, #tpu.memory_space<vmem>>, vector<1x16xf32>,
        %get3A_451 = vector.shape_cast %get3A_450 : vector<1x16xf32> to vector<16xf32>
        %add3A_452 = arith.addf %get3A_451, %get3A_421 : vector<16xf32>
        %swap3A_453 = arith.index_cast %add3A_447 : i32 to index
        %swap3A_454 = arith.constant 32 : index
        %swap3A_455 = tpu.vector_load %arg8[%swap3A_453, %swap3A_454] {strides = array<i32>} : memref<200x64xf32, #tpu.memory_space<vmem>>, vector<1x16xf32>,
        %swap3A_456 = vector.shape_cast %swap3A_455 : vector<1x16xf32> to vector<16xf32>
        %swap3A_457 = vector.shape_cast %add3A_452 : vector<16xf32> to vector<1x16xf32>
        tpu.vector_store %arg8[%swap3A_453, %swap3A_454], %swap3A_457 {strides = array<i32>} : memref<200x64xf32, #tpu.memory_space<vmem>>, vector<1x16xf32>,
        %add3A_458 = arith.constant 150 : i32
        %add3A_459 = arith.addi %scan3A_315, %add3A_458 : i32
        %get3A_460 = arith.index_cast %add3A_459 : i32 to index
        %get3A_461 = arith.constant 32 : index
        %get3A_462 = tpu.vector_load %arg8[%get3A_460, %get3A_461] {strides = array<i32>} : memref<200x64xf32, #tpu.memory_space<vmem>>, vector<1x16xf32>,
        %get3A_463 = vector.shape_cast %get3A_462 : vector<1x16xf32> to vector<16xf32>
        %add3A_464 = arith.addf %get3A_463, %get3A_421 : vector<16xf32>
        %swap3A_465 = arith.index_cast %add3A_459 : i32 to index
        %swap3A_466 = arith.constant 32 : index
        %swap3A_467 = tpu.vector_load %arg8[%swap3A_465, %swap3A_466] {strides = array<i32>} : memref<200x64xf32, #tpu.memory_space<vmem>>, vector<1x16xf32>,
        %swap3A_468 = vector.shape_cast %swap3A_467 : vector<1x16xf32> to vector<16xf32>
        %swap3A_469 = vector.shape_cast %add3A_464 : vector<16xf32> to vector<1x16xf32>
        tpu.vector_store %arg8[%swap3A_465, %swap3A_466], %swap3A_469 {strides = array<i32>} : memref<200x64xf32, #tpu.memory_space<vmem>>, vector<1x16xf32>,
        %get3A_470 = arith.index_cast %scan3A_315 : i32 to index
        %get3A_471 = arith.constant 48 : index
        %get3A_472 = tpu.vector_load %arg7[%get3A_470, %get3A_471] {strides = array<i32>} : memref<50x64xf32, #tpu.memory_space<vmem>>, vector<1x16xf32>,
        %get3A_473 = vector.shape_cast %get3A_472 : vector<1x16xf32> to vector<16xf32>
        %add3A_474 = arith.constant 0 : i32
        %add3A_475 = arith.addi %scan3A_315, %add3A_474 : i32
        %get3A_476 = arith.index_cast %add3A_475 : i32 to index
        %get3A_477 = arith.constant 48 : index
        %get3A_478 = tpu.vector_load %arg8[%get3A_476, %get3A_477] {strides = array<i32>} : memref<200x64xf32, #tpu.memory_space<vmem>>, vector<1x16xf32>,
        %get3A_479 = vector.shape_cast %get3A_478 : vector<1x16xf32> to vector<16xf32>
        %add3A_480 = arith.addf %get3A_479, %get3A_473 : vector<16xf32>
        %swap3A_481 = arith.index_cast %add3A_475 : i32 to index
        %swap3A_482 = arith.constant 48 : index
        %swap3A_483 = tpu.vector_load %arg8[%swap3A_481, %swap3A_482] {strides = array<i32>} : memref<200x64xf32, #tpu.memory_space<vmem>>, vector<1x16xf32>,
        %swap3A_484 = vector.shape_cast %swap3A_483 : vector<1x16xf32> to vector<16xf32>
        %swap3A_485 = vector.shape_cast %add3A_480 : vector<16xf32> to vector<1x16xf32>
        tpu.vector_store %arg8[%swap3A_481, %swap3A_482], %swap3A_485 {strides = array<i32>} : memref<200x64xf32, #tpu.memory_space<vmem>>, vector<1x16xf32>,
        %add3A_486 = arith.constant 50 : i32
        %add3A_487 = arith.addi %scan3A_315, %add3A_486 : i32
        %get3A_488 = arith.index_cast %add3A_487 : i32 to index
        %get3A_489 = arith.constant 48 : index
        %get3A_490 = tpu.vector_load %arg8[%get3A_488, %get3A_489] {strides = array<i32>} : memref<200x64xf32, #tpu.memory_space<vmem>>, vector<1x16xf32>,
        %get3A_491 = vector.shape_cast %get3A_490 : vector<1x16xf32> to vector<16xf32>
        %add3A_492 = arith.addf %get3A_491, %get3A_473 : vector<16xf32>
        %swap3A_493 = arith.index_cast %add3A_487 : i32 to index
        %swap3A_494 = arith.constant 48 : index
        %swap3A_495 = tpu.vector_load %arg8[%swap3A_493, %swap3A_494] {strides = array<i32>} : memref<200x64xf32, #tpu.memory_space<vmem>>, vector<1x16xf32>,
        %swap3A_496 = vector.shape_cast %swap3A_495 : vector<1x16xf32> to vector<16xf32>
        %swap3A_497 = vector.shape_cast %add3A_492 : vector<16xf32> to vector<1x16xf32>
        tpu.vector_store %arg8[%swap3A_493, %swap3A_494], %swap3A_497 {strides = array<i32>} : memref<200x64xf32, #tpu.memory_space<vmem>>, vector<1x16xf32>,
        %add3A_498 = arith.constant 100 : i32
        %add3A_499 = arith.addi %scan3A_315, %add3A_498 : i32
        %get3A_500 = arith.index_cast %add3A_499 : i32 to index
        %get3A_501 = arith.constant 48 : index
        %get3A_502 = tpu.vector_load %arg8[%get3A_500, %get3A_501] {strides = array<i32>} : memref<200x64xf32, #tpu.memory_space<vmem>>, vector<1x16xf32>,
        %get3A_503 = vector.shape_cast %get3A_502 : vector<1x16xf32> to vector<16xf32>
        %add3A_504 = arith.addf %get3A_503, %get3A_473 : vector<16xf32>
        %swap3A_505 = arith.index_cast %add3A_499 : i32 to index
        %swap3A_506 = arith.constant 48 : index
        %swap3A_507 = tpu.vector_load %arg8[%swap3A_505, %swap3A_506] {strides = array<i32>} : memref<200x64xf32, #tpu.memory_space<vmem>>, vector<1x16xf32>,
        %swap3A_508 = vector.shape_cast %swap3A_507 : vector<1x16xf32> to vector<16xf32>
        %swap3A_509 = vector.shape_cast %add3A_504 : vector<16xf32> to vector<1x16xf32>
        tpu.vector_store %arg8[%swap3A_505, %swap3A_506], %swap3A_509 {strides = array<i32>} : memref<200x64xf32, #tpu.memory_space<vmem>>, vector<1x16xf32>,
        %add3A_510 = arith.constant 150 : i32
        %add3A_511 = arith.addi %scan3A_315, %add3A_510 : i32
        %get3A_512 = arith.index_cast %add3A_511 : i32 to index
        %get3A_513 = arith.constant 48 : index
        %get3A_514 = tpu.vector_load %arg8[%get3A_512, %get3A_513] {strides = array<i32>} : memref<200x64xf32, #tpu.memory_space<vmem>>, vector<1x16xf32>,
        %get3A_515 = vector.shape_cast %get3A_514 : vector<1x16xf32> to vector<16xf32>
        %add3A_516 = arith.addf %get3A_515, %get3A_473 : vector<16xf32>
        %swap3A_517 = arith.index_cast %add3A_511 : i32 to index
        %swap3A_518 = arith.constant 48 : index
        %swap3A_519 = tpu.vector_load %arg8[%swap3A_517, %swap3A_518] {strides = array<i32>} : memref<200x64xf32, #tpu.memory_space<vmem>>, vector<1x16xf32>,
        %swap3A_520 = vector.shape_cast %swap3A_519 : vector<1x16xf32> to vector<16xf32>
        %swap3A_521 = vector.shape_cast %add3A_516 : vector<16xf32> to vector<1x16xf32>
        tpu.vector_store %arg8[%swap3A_517, %swap3A_518], %swap3A_521 {strides = array<i32>} : memref<200x64xf32, #tpu.memory_space<vmem>>, vector<1x16xf32>,
      }
      %scan3A_108 = arith.constant 50 : i32
      %mul3A_109 = arith.constant 200 : i32
      %mul3A_110 = arith.muli %add3A_50, %mul3A_109 : i32
      %add3A_111 = arith.addi %mul3A_2, %mul3A_110 : i32
      %dma_start3A_112 = arith.constant 0 : i32
      %dma_start3A_113 = tpu.memref_slice %arg5[%add3A_111, %dma_start3A_112] : memref<204800x64xf32, #tpu.memory_space<hbm>> -> memref<200x64xf32, #tpu.memory_space<hbm>>
      %dma_start3A_114 = arith.constant 0 : i32
      %dma_start3A_115 = tpu.memref_slice %arg5[%add3A_111, %dma_start3A_114] : memref<204800x64xf32, #tpu.memory_space<hbm>> -> memref<200x64xf32, #tpu.memory_space<hbm>>
      tpu.enqueue_dma source(%arg8 : memref<200x64xf32, #tpu.memory_space<vmem>>) target(%dma_start3A_115 : memref<200x64xf32, #tpu.memory_space<hbm>>) target_semaphore(%arg16 : memref<!tpu.dma_semaphore, #tpu.memory_space<semaphore_mem>>)
      %mul3A_116 = arith.constant 4 : i32
      %mul3A_117 = arith.muli %mul3A_116, %scan3A_46 : i32
      %add3A_118 = arith.constant 1 : i32
      %add3A_119 = arith.addi %mul3A_117, %add3A_118 : i32
      %gt3A_120 = arith.constant 0 : i32
      %gt3A_121 = arith.cmpi sgt, %scan3A_46, %gt3A_120 : i32
      %convert_element_type3A_122 = arith.extui %gt3A_121 : i1 to i32
      %cond3A_123 = arith.constant 0 : i32
      %cond3A_124 = arith.cmpi ne, %convert_element_type3A_122, %cond3A_123 : i32
      scf.if %cond3A_124 {
        %sub3A_315 = arith.constant 3 : i32
        %sub3A_316 = arith.subi %add3A_119, %sub3A_315 : i32
        %mul3A_317 = arith.constant 200 : i32
        %mul3A_318 = arith.muli %sub3A_316, %mul3A_317 : i32
        %add3A_319 = arith.addi %mul3A_2, %mul3A_318 : i32
        %dma_wait3A_320 = arith.constant 0 : i32
        %dma_wait3A_321 = tpu.memref_slice %arg5[%add3A_319, %dma_wait3A_320] : memref<204800x64xf32, #tpu.memory_space<hbm>> -> memref<200x64xf32, #tpu.memory_space<hbm>>
        %dma_wait3A_322 = arith.constant 0 : i32
        %dma_wait3A_323 = tpu.memref_slice %arg5[%add3A_319, %dma_wait3A_322] : memref<204800x64xf32, #tpu.memory_space<hbm>> -> memref<200x64xf32, #tpu.memory_space<hbm>>
        tpu.wait_dma2 semaphore(%arg18 : memref<!tpu.dma_semaphore, #tpu.memory_space<semaphore_mem>>) src(%arg10 : memref<200x64xf32, #tpu.memory_space<vmem>>) dst(%dma_wait3A_323 : memref<200x64xf32, #tpu.memory_space<hbm>>)
      } else {
      }
      %add3A_125 = arith.constant 1 : i32
      %add3A_126 = arith.addi %add3A_119, %add3A_125 : i32
      %mul3A_127 = arith.constant 2 : i32
      %mul3A_128 = arith.muli %mul3A_127, %add3A_126 : i32
      %dma_start3A_129 = arith.constant 0 : i32
      %dma_start3A_130 = arith.constant 0 : i32
      %dma_start3A_131 = tpu.memref_slice %arg10[%dma_start3A_129, %dma_start3A_130] : memref<200x64xf32, #tpu.memory_space<vmem>> -> memref<100x64xf32, #tpu.memory_space<vmem>>
      %dma_start3A_132 = arith.constant 0 : i32
      %dma_start3A_133 = tpu.memref_slice %arg6[%mul3A_128, %dma_start3A_132] : memref<64x100xi32, #tpu.memory_space<vmem>> -> memref<1x100xi32, #tpu.memory_space<vmem>>
      %dma_start3A_134 = tpu.memref_squeeze %dma_start3A_133 : memref<1x100xi32, #tpu.memory_space<vmem>> -> memref<100xi32, #tpu.memory_space<vmem>>
      %dma_start3A_135 = arith.constant 0 : i32
      %dma_start3A_136 = arith.constant 0 : i32
      %dma_start3A_137 = tpu.memref_slice %arg3[%dma_start3A_135, %dma_start3A_136] : memref<1015808x64xf32, #tpu.memory_space<hbm>> -> memref<1015808x64xf32, #tpu.memory_space<hbm>>
      tpu.enqueue_indirect_dma source(%dma_start3A_137 : memref<1015808x64xf32, #tpu.memory_space<hbm>>) target(%dma_start3A_131 : memref<100x64xf32, #tpu.memory_space<vmem>>) offsets(%dma_start3A_134 : memref<100xi32, #tpu.memory_space<vmem>>) semaphore(%arg14 : memref<!tpu.dma_semaphore, #tpu.memory_space<semaphore_mem>>)
      %mul3A_138 = arith.constant 2 : i32
      %mul3A_139 = arith.muli %mul3A_138, %add3A_126 : i32
      %add3A_140 = arith.constant 1 : i32
      %add3A_141 = arith.addi %mul3A_139, %add3A_140 : i32
      %dma_start3A_142 = arith.constant 100 : i32
      %dma_start3A_143 = arith.constant 0 : i32
      %dma_start3A_144 = tpu.memref_slice %arg10[%dma_start3A_142, %dma_start3A_143] : memref<200x64xf32, #tpu.memory_space<vmem>> -> memref<100x64xf32, #tpu.memory_space<vmem>>
      %dma_start3A_145 = arith.constant 0 : i32
      %dma_start3A_146 = tpu.memref_slice %arg6[%add3A_141, %dma_start3A_145] : memref<64x100xi32, #tpu.memory_space<vmem>> -> memref<1x100xi32, #tpu.memory_space<vmem>>
      %dma_start3A_147 = tpu.memref_squeeze %dma_start3A_146 : memref<1x100xi32, #tpu.memory_space<vmem>> -> memref<100xi32, #tpu.memory_space<vmem>>
      %dma_start3A_148 = arith.constant 0 : i32
      %dma_start3A_149 = arith.constant 0 : i32
      %dma_start3A_150 = tpu.memref_slice %arg3[%dma_start3A_148, %dma_start3A_149] : memref<1015808x64xf32, #tpu.memory_space<hbm>> -> memref<1015808x64xf32, #tpu.memory_space<hbm>>
      tpu.enqueue_indirect_dma source(%dma_start3A_150 : memref<1015808x64xf32, #tpu.memory_space<hbm>>) target(%dma_start3A_144 : memref<100x64xf32, #tpu.memory_space<vmem>>) offsets(%dma_start3A_147 : memref<100xi32, #tpu.memory_space<vmem>>) semaphore(%arg14 : memref<!tpu.dma_semaphore, #tpu.memory_space<semaphore_mem>>)
      %mul3A_151 = arith.constant 2 : i32
      %mul3A_152 = arith.muli %mul3A_151, %add3A_119 : i32
      %dma_wait3A_153 = arith.constant 0 : i32
      %dma_wait3A_154 = arith.constant 0 : i32
      %dma_wait3A_155 = tpu.memref_slice %arg9[%dma_wait3A_153, %dma_wait3A_154] : memref<200x64xf32, #tpu.memory_space<vmem>> -> memref<100x64xf32, #tpu.memory_space<vmem>>
      %dma_wait3A_156 = arith.constant 0 : i32
      %dma_wait3A_157 = tpu.memref_slice %arg6[%mul3A_152, %dma_wait3A_156] : memref<64x100xi32, #tpu.memory_space<vmem>> -> memref<1x100xi32, #tpu.memory_space<vmem>>
      %dma_wait3A_158 = tpu.memref_squeeze %dma_wait3A_157 : memref<1x100xi32, #tpu.memory_space<vmem>> -> memref<100xi32, #tpu.memory_space<vmem>>
      %dma_wait3A_159 = arith.constant 0 : i32
      %dma_wait3A_160 = arith.constant 0 : i32
      %dma_wait3A_161 = tpu.memref_slice %arg3[%dma_wait3A_159, %dma_wait3A_160] : memref<1015808x64xf32, #tpu.memory_space<hbm>> -> memref<1015808x64xf32, #tpu.memory_space<hbm>>
      tpu.wait_indirect_dma semaphore(%arg13 : memref<!tpu.dma_semaphore, #tpu.memory_space<semaphore_mem>>) src(%dma_wait3A_161 : memref<1015808x64xf32, #tpu.memory_space<hbm>>) dst(%dma_wait3A_155 : memref<100x64xf32, #tpu.memory_space<vmem>>)
      %mul3A_162 = arith.constant 2 : i32
      %mul3A_163 = arith.muli %mul3A_162, %add3A_119 : i32
      %add3A_164 = arith.constant 1 : i32
      %add3A_165 = arith.addi %mul3A_163, %add3A_164 : i32
      %dma_wait3A_166 = arith.constant 100 : i32
      %dma_wait3A_167 = arith.constant 0 : i32
      %dma_wait3A_168 = tpu.memref_slice %arg9[%dma_wait3A_166, %dma_wait3A_167] : memref<200x64xf32, #tpu.memory_space<vmem>> -> memref<100x64xf32, #tpu.memory_space<vmem>>
      %dma_wait3A_169 = arith.constant 0 : i32
      %dma_wait3A_170 = tpu.memref_slice %arg6[%add3A_165, %dma_wait3A_169] : memref<64x100xi32, #tpu.memory_space<vmem>> -> memref<1x100xi32, #tpu.memory_space<vmem>>
      %dma_wait3A_171 = tpu.memref_squeeze %dma_wait3A_170 : memref<1x100xi32, #tpu.memory_space<vmem>> -> memref<100xi32, #tpu.memory_space<vmem>>
      %dma_wait3A_172 = arith.constant 0 : i32
      %dma_wait3A_173 = arith.constant 0 : i32
      %dma_wait3A_174 = tpu.memref_slice %arg3[%dma_wait3A_172, %dma_wait3A_173] : memref<1015808x64xf32, #tpu.memory_space<hbm>> -> memref<1015808x64xf32, #tpu.memory_space<hbm>>
      tpu.wait_indirect_dma semaphore(%arg13 : memref<!tpu.dma_semaphore, #tpu.memory_space<semaphore_mem>>) src(%dma_wait3A_174 : memref<1015808x64xf32, #tpu.memory_space<hbm>>) dst(%dma_wait3A_168 : memref<100x64xf32, #tpu.memory_space<vmem>>)
      %scan3A_175 = arith.constant 0 : i32
      %scan3A_176 = arith.constant 0 : i32
      %scan3A_177 = arith.constant 50 : i32
      %scan3A_178 = arith.addi %scan3A_176, %scan3A_177 : i32
      %scan3A_179 = arith.constant 1 : i32
      scf.for %scan3A_315 = %scan3A_176 to %scan3A_178 step %scan3A_179  : i32 {
        %get3A = arith.index_cast %scan3A_315 : i32 to index
        %get3A_316 = arith.constant 0 : index
        %get3A_317 = tpu.vector_load %arg7[%get3A, %get3A_316] {strides = array<i32>} : memref<50x64xf32, #tpu.memory_space<vmem>>, vector<1x16xf32>,
        %get3A_318 = vector.shape_cast %get3A_317 : vector<1x16xf32> to vector<16xf32>
        %add3A_319 = arith.constant 0 : i32
        %add3A_320 = arith.addi %scan3A_315, %add3A_319 : i32
        %get3A_321 = arith.index_cast %add3A_320 : i32 to index
        %get3A_322 = arith.constant 0 : index
        %get3A_323 = tpu.vector_load %arg9[%get3A_321, %get3A_322] {strides = array<i32>} : memref<200x64xf32, #tpu.memory_space<vmem>>, vector<1x16xf32>,
        %get3A_324 = vector.shape_cast %get3A_323 : vector<1x16xf32> to vector<16xf32>
        %add3A_325 = arith.addf %get3A_324, %get3A_318 : vector<16xf32>
        %swap3A = arith.index_cast %add3A_320 : i32 to index
        %swap3A_326 = arith.constant 0 : index
        %swap3A_327 = tpu.vector_load %arg9[%swap3A, %swap3A_326] {strides = array<i32>} : memref<200x64xf32, #tpu.memory_space<vmem>>, vector<1x16xf32>,
        %swap3A_328 = vector.shape_cast %swap3A_327 : vector<1x16xf32> to vector<16xf32>
        %swap3A_329 = vector.shape_cast %add3A_325 : vector<16xf32> to vector<1x16xf32>
        tpu.vector_store %arg9[%swap3A, %swap3A_326], %swap3A_329 {strides = array<i32>} : memref<200x64xf32, #tpu.memory_space<vmem>>, vector<1x16xf32>,
        %add3A_330 = arith.constant 50 : i32
        %add3A_331 = arith.addi %scan3A_315, %add3A_330 : i32
        %get3A_332 = arith.index_cast %add3A_331 : i32 to index
        %get3A_333 = arith.constant 0 : index
        %get3A_334 = tpu.vector_load %arg9[%get3A_332, %get3A_333] {strides = array<i32>} : memref<200x64xf32, #tpu.memory_space<vmem>>, vector<1x16xf32>,
        %get3A_335 = vector.shape_cast %get3A_334 : vector<1x16xf32> to vector<16xf32>
        %add3A_336 = arith.addf %get3A_335, %get3A_318 : vector<16xf32>
        %swap3A_337 = arith.index_cast %add3A_331 : i32 to index
        %swap3A_338 = arith.constant 0 : index
        %swap3A_339 = tpu.vector_load %arg9[%swap3A_337, %swap3A_338] {strides = array<i32>} : memref<200x64xf32, #tpu.memory_space<vmem>>, vector<1x16xf32>,
        %swap3A_340 = vector.shape_cast %swap3A_339 : vector<1x16xf32> to vector<16xf32>
        %swap3A_341 = vector.shape_cast %add3A_336 : vector<16xf32> to vector<1x16xf32>
        tpu.vector_store %arg9[%swap3A_337, %swap3A_338], %swap3A_341 {strides = array<i32>} : memref<200x64xf32, #tpu.memory_space<vmem>>, vector<1x16xf32>,
        %add3A_342 = arith.constant 100 : i32
        %add3A_343 = arith.addi %scan3A_315, %add3A_342 : i32
        %get3A_344 = arith.index_cast %add3A_343 : i32 to index
        %get3A_345 = arith.constant 0 : index
        %get3A_346 = tpu.vector_load %arg9[%get3A_344, %get3A_345] {strides = array<i32>} : memref<200x64xf32, #tpu.memory_space<vmem>>, vector<1x16xf32>,
        %get3A_347 = vector.shape_cast %get3A_346 : vector<1x16xf32> to vector<16xf32>
        %add3A_348 = arith.addf %get3A_347, %get3A_318 : vector<16xf32>
        %swap3A_349 = arith.index_cast %add3A_343 : i32 to index
        %swap3A_350 = arith.constant 0 : index
        %swap3A_351 = tpu.vector_load %arg9[%swap3A_349, %swap3A_350] {strides = array<i32>} : memref<200x64xf32, #tpu.memory_space<vmem>>, vector<1x16xf32>,
        %swap3A_352 = vector.shape_cast %swap3A_351 : vector<1x16xf32> to vector<16xf32>
        %swap3A_353 = vector.shape_cast %add3A_348 : vector<16xf32> to vector<1x16xf32>
        tpu.vector_store %arg9[%swap3A_349, %swap3A_350], %swap3A_353 {strides = array<i32>} : memref<200x64xf32, #tpu.memory_space<vmem>>, vector<1x16xf32>,
        %add3A_354 = arith.constant 150 : i32
        %add3A_355 = arith.addi %scan3A_315, %add3A_354 : i32
        %get3A_356 = arith.index_cast %add3A_355 : i32 to index
        %get3A_357 = arith.constant 0 : index
        %get3A_358 = tpu.vector_load %arg9[%get3A_356, %get3A_357] {strides = array<i32>} : memref<200x64xf32, #tpu.memory_space<vmem>>, vector<1x16xf32>,
        %get3A_359 = vector.shape_cast %get3A_358 : vector<1x16xf32> to vector<16xf32>
        %add3A_360 = arith.addf %get3A_359, %get3A_318 : vector<16xf32>
        %swap3A_361 = arith.index_cast %add3A_355 : i32 to index
        %swap3A_362 = arith.constant 0 : index
        %swap3A_363 = tpu.vector_load %arg9[%swap3A_361, %swap3A_362] {strides = array<i32>} : memref<200x64xf32, #tpu.memory_space<vmem>>, vector<1x16xf32>,
        %swap3A_364 = vector.shape_cast %swap3A_363 : vector<1x16xf32> to vector<16xf32>
        %swap3A_365 = vector.shape_cast %add3A_360 : vector<16xf32> to vector<1x16xf32>
        tpu.vector_store %arg9[%swap3A_361, %swap3A_362], %swap3A_365 {strides = array<i32>} : memref<200x64xf32, #tpu.memory_space<vmem>>, vector<1x16xf32>,
        %get3A_366 = arith.index_cast %scan3A_315 : i32 to index
        %get3A_367 = arith.constant 16 : index
        %get3A_368 = tpu.vector_load %arg7[%get3A_366, %get3A_367] {strides = array<i32>} : memref<50x64xf32, #tpu.memory_space<vmem>>, vector<1x16xf32>,
        %get3A_369 = vector.shape_cast %get3A_368 : vector<1x16xf32> to vector<16xf32>
        %add3A_370 = arith.constant 0 : i32
        %add3A_371 = arith.addi %scan3A_315, %add3A_370 : i32
        %get3A_372 = arith.index_cast %add3A_371 : i32 to index
        %get3A_373 = arith.constant 16 : index
        %get3A_374 = tpu.vector_load %arg9[%get3A_372, %get3A_373] {strides = array<i32>} : memref<200x64xf32, #tpu.memory_space<vmem>>, vector<1x16xf32>,
        %get3A_375 = vector.shape_cast %get3A_374 : vector<1x16xf32> to vector<16xf32>
        %add3A_376 = arith.addf %get3A_375, %get3A_369 : vector<16xf32>
        %swap3A_377 = arith.index_cast %add3A_371 : i32 to index
        %swap3A_378 = arith.constant 16 : index
        %swap3A_379 = tpu.vector_load %arg9[%swap3A_377, %swap3A_378] {strides = array<i32>} : memref<200x64xf32, #tpu.memory_space<vmem>>, vector<1x16xf32>,
        %swap3A_380 = vector.shape_cast %swap3A_379 : vector<1x16xf32> to vector<16xf32>
        %swap3A_381 = vector.shape_cast %add3A_376 : vector<16xf32> to vector<1x16xf32>
        tpu.vector_store %arg9[%swap3A_377, %swap3A_378], %swap3A_381 {strides = array<i32>} : memref<200x64xf32, #tpu.memory_space<vmem>>, vector<1x16xf32>,
        %add3A_382 = arith.constant 50 : i32
        %add3A_383 = arith.addi %scan3A_315, %add3A_382 : i32
        %get3A_384 = arith.index_cast %add3A_383 : i32 to index
        %get3A_385 = arith.constant 16 : index
        %get3A_386 = tpu.vector_load %arg9[%get3A_384, %get3A_385] {strides = array<i32>} : memref<200x64xf32, #tpu.memory_space<vmem>>, vector<1x16xf32>,
        %get3A_387 = vector.shape_cast %get3A_386 : vector<1x16xf32> to vector<16xf32>
        %add3A_388 = arith.addf %get3A_387, %get3A_369 : vector<16xf32>
        %swap3A_389 = arith.index_cast %add3A_383 : i32 to index
        %swap3A_390 = arith.constant 16 : index
        %swap3A_391 = tpu.vector_load %arg9[%swap3A_389, %swap3A_390] {strides = array<i32>} : memref<200x64xf32, #tpu.memory_space<vmem>>, vector<1x16xf32>,
        %swap3A_392 = vector.shape_cast %swap3A_391 : vector<1x16xf32> to vector<16xf32>
        %swap3A_393 = vector.shape_cast %add3A_388 : vector<16xf32> to vector<1x16xf32>
        tpu.vector_store %arg9[%swap3A_389, %swap3A_390], %swap3A_393 {strides = array<i32>} : memref<200x64xf32, #tpu.memory_space<vmem>>, vector<1x16xf32>,
        %add3A_394 = arith.constant 100 : i32
        %add3A_395 = arith.addi %scan3A_315, %add3A_394 : i32
        %get3A_396 = arith.index_cast %add3A_395 : i32 to index
        %get3A_397 = arith.constant 16 : index
        %get3A_398 = tpu.vector_load %arg9[%get3A_396, %get3A_397] {strides = array<i32>} : memref<200x64xf32, #tpu.memory_space<vmem>>, vector<1x16xf32>,
        %get3A_399 = vector.shape_cast %get3A_398 : vector<1x16xf32> to vector<16xf32>
        %add3A_400 = arith.addf %get3A_399, %get3A_369 : vector<16xf32>
        %swap3A_401 = arith.index_cast %add3A_395 : i32 to index
        %swap3A_402 = arith.constant 16 : index
        %swap3A_403 = tpu.vector_load %arg9[%swap3A_401, %swap3A_402] {strides = array<i32>} : memref<200x64xf32, #tpu.memory_space<vmem>>, vector<1x16xf32>,
        %swap3A_404 = vector.shape_cast %swap3A_403 : vector<1x16xf32> to vector<16xf32>
        %swap3A_405 = vector.shape_cast %add3A_400 : vector<16xf32> to vector<1x16xf32>
        tpu.vector_store %arg9[%swap3A_401, %swap3A_402], %swap3A_405 {strides = array<i32>} : memref<200x64xf32, #tpu.memory_space<vmem>>, vector<1x16xf32>,
        %add3A_406 = arith.constant 150 : i32
        %add3A_407 = arith.addi %scan3A_315, %add3A_406 : i32
        %get3A_408 = arith.index_cast %add3A_407 : i32 to index
        %get3A_409 = arith.constant 16 : index
        %get3A_410 = tpu.vector_load %arg9[%get3A_408, %get3A_409] {strides = array<i32>} : memref<200x64xf32, #tpu.memory_space<vmem>>, vector<1x16xf32>,
        %get3A_411 = vector.shape_cast %get3A_410 : vector<1x16xf32> to vector<16xf32>
        %add3A_412 = arith.addf %get3A_411, %get3A_369 : vector<16xf32>
        %swap3A_413 = arith.index_cast %add3A_407 : i32 to index
        %swap3A_414 = arith.constant 16 : index
        %swap3A_415 = tpu.vector_load %arg9[%swap3A_413, %swap3A_414] {strides = array<i32>} : memref<200x64xf32, #tpu.memory_space<vmem>>, vector<1x16xf32>,
        %swap3A_416 = vector.shape_cast %swap3A_415 : vector<1x16xf32> to vector<16xf32>
        %swap3A_417 = vector.shape_cast %add3A_412 : vector<16xf32> to vector<1x16xf32>
        tpu.vector_store %arg9[%swap3A_413, %swap3A_414], %swap3A_417 {strides = array<i32>} : memref<200x64xf32, #tpu.memory_space<vmem>>, vector<1x16xf32>,
        %get3A_418 = arith.index_cast %scan3A_315 : i32 to index
        %get3A_419 = arith.constant 32 : index
        %get3A_420 = tpu.vector_load %arg7[%get3A_418, %get3A_419] {strides = array<i32>} : memref<50x64xf32, #tpu.memory_space<vmem>>, vector<1x16xf32>,
        %get3A_421 = vector.shape_cast %get3A_420 : vector<1x16xf32> to vector<16xf32>
        %add3A_422 = arith.constant 0 : i32
        %add3A_423 = arith.addi %scan3A_315, %add3A_422 : i32
        %get3A_424 = arith.index_cast %add3A_423 : i32 to index
        %get3A_425 = arith.constant 32 : index
        %get3A_426 = tpu.vector_load %arg9[%get3A_424, %get3A_425] {strides = array<i32>} : memref<200x64xf32, #tpu.memory_space<vmem>>, vector<1x16xf32>,
        %get3A_427 = vector.shape_cast %get3A_426 : vector<1x16xf32> to vector<16xf32>
        %add3A_428 = arith.addf %get3A_427, %get3A_421 : vector<16xf32>
        %swap3A_429 = arith.index_cast %add3A_423 : i32 to index
        %swap3A_430 = arith.constant 32 : index
        %swap3A_431 = tpu.vector_load %arg9[%swap3A_429, %swap3A_430] {strides = array<i32>} : memref<200x64xf32, #tpu.memory_space<vmem>>, vector<1x16xf32>,
        %swap3A_432 = vector.shape_cast %swap3A_431 : vector<1x16xf32> to vector<16xf32>
        %swap3A_433 = vector.shape_cast %add3A_428 : vector<16xf32> to vector<1x16xf32>
        tpu.vector_store %arg9[%swap3A_429, %swap3A_430], %swap3A_433 {strides = array<i32>} : memref<200x64xf32, #tpu.memory_space<vmem>>, vector<1x16xf32>,
        %add3A_434 = arith.constant 50 : i32
        %add3A_435 = arith.addi %scan3A_315, %add3A_434 : i32
        %get3A_436 = arith.index_cast %add3A_435 : i32 to index
        %get3A_437 = arith.constant 32 : index
        %get3A_438 = tpu.vector_load %arg9[%get3A_436, %get3A_437] {strides = array<i32>} : memref<200x64xf32, #tpu.memory_space<vmem>>, vector<1x16xf32>,
        %get3A_439 = vector.shape_cast %get3A_438 : vector<1x16xf32> to vector<16xf32>
        %add3A_440 = arith.addf %get3A_439, %get3A_421 : vector<16xf32>
        %swap3A_441 = arith.index_cast %add3A_435 : i32 to index
        %swap3A_442 = arith.constant 32 : index
        %swap3A_443 = tpu.vector_load %arg9[%swap3A_441, %swap3A_442] {strides = array<i32>} : memref<200x64xf32, #tpu.memory_space<vmem>>, vector<1x16xf32>,
        %swap3A_444 = vector.shape_cast %swap3A_443 : vector<1x16xf32> to vector<16xf32>
        %swap3A_445 = vector.shape_cast %add3A_440 : vector<16xf32> to vector<1x16xf32>
        tpu.vector_store %arg9[%swap3A_441, %swap3A_442], %swap3A_445 {strides = array<i32>} : memref<200x64xf32, #tpu.memory_space<vmem>>, vector<1x16xf32>,
        %add3A_446 = arith.constant 100 : i32
        %add3A_447 = arith.addi %scan3A_315, %add3A_446 : i32
        %get3A_448 = arith.index_cast %add3A_447 : i32 to index
        %get3A_449 = arith.constant 32 : index
        %get3A_450 = tpu.vector_load %arg9[%get3A_448, %get3A_449] {strides = array<i32>} : memref<200x64xf32, #tpu.memory_space<vmem>>, vector<1x16xf32>,
        %get3A_451 = vector.shape_cast %get3A_450 : vector<1x16xf32> to vector<16xf32>
        %add3A_452 = arith.addf %get3A_451, %get3A_421 : vector<16xf32>
        %swap3A_453 = arith.index_cast %add3A_447 : i32 to index
        %swap3A_454 = arith.constant 32 : index
        %swap3A_455 = tpu.vector_load %arg9[%swap3A_453, %swap3A_454] {strides = array<i32>} : memref<200x64xf32, #tpu.memory_space<vmem>>, vector<1x16xf32>,
        %swap3A_456 = vector.shape_cast %swap3A_455 : vector<1x16xf32> to vector<16xf32>
        %swap3A_457 = vector.shape_cast %add3A_452 : vector<16xf32> to vector<1x16xf32>
        tpu.vector_store %arg9[%swap3A_453, %swap3A_454], %swap3A_457 {strides = array<i32>} : memref<200x64xf32, #tpu.memory_space<vmem>>, vector<1x16xf32>,
        %add3A_458 = arith.constant 150 : i32
        %add3A_459 = arith.addi %scan3A_315, %add3A_458 : i32
        %get3A_460 = arith.index_cast %add3A_459 : i32 to index
        %get3A_461 = arith.constant 32 : index
        %get3A_462 = tpu.vector_load %arg9[%get3A_460, %get3A_461] {strides = array<i32>} : memref<200x64xf32, #tpu.memory_space<vmem>>, vector<1x16xf32>,
        %get3A_463 = vector.shape_cast %get3A_462 : vector<1x16xf32> to vector<16xf32>
        %add3A_464 = arith.addf %get3A_463, %get3A_421 : vector<16xf32>
        %swap3A_465 = arith.index_cast %add3A_459 : i32 to index
        %swap3A_466 = arith.constant 32 : index
        %swap3A_467 = tpu.vector_load %arg9[%swap3A_465, %swap3A_466] {strides = array<i32>} : memref<200x64xf32, #tpu.memory_space<vmem>>, vector<1x16xf32>,
        %swap3A_468 = vector.shape_cast %swap3A_467 : vector<1x16xf32> to vector<16xf32>
        %swap3A_469 = vector.shape_cast %add3A_464 : vector<16xf32> to vector<1x16xf32>
        tpu.vector_store %arg9[%swap3A_465, %swap3A_466], %swap3A_469 {strides = array<i32>} : memref<200x64xf32, #tpu.memory_space<vmem>>, vector<1x16xf32>,
        %get3A_470 = arith.index_cast %scan3A_315 : i32 to index
        %get3A_471 = arith.constant 48 : index
        %get3A_472 = tpu.vector_load %arg7[%get3A_470, %get3A_471] {strides = array<i32>} : memref<50x64xf32, #tpu.memory_space<vmem>>, vector<1x16xf32>,
        %get3A_473 = vector.shape_cast %get3A_472 : vector<1x16xf32> to vector<16xf32>
        %add3A_474 = arith.constant 0 : i32
        %add3A_475 = arith.addi %scan3A_315, %add3A_474 : i32
        %get3A_476 = arith.index_cast %add3A_475 : i32 to index
        %get3A_477 = arith.constant 48 : index
        %get3A_478 = tpu.vector_load %arg9[%get3A_476, %get3A_477] {strides = array<i32>} : memref<200x64xf32, #tpu.memory_space<vmem>>, vector<1x16xf32>,
        %get3A_479 = vector.shape_cast %get3A_478 : vector<1x16xf32> to vector<16xf32>
        %add3A_480 = arith.addf %get3A_479, %get3A_473 : vector<16xf32>
        %swap3A_481 = arith.index_cast %add3A_475 : i32 to index
        %swap3A_482 = arith.constant 48 : index
        %swap3A_483 = tpu.vector_load %arg9[%swap3A_481, %swap3A_482] {strides = array<i32>} : memref<200x64xf32, #tpu.memory_space<vmem>>, vector<1x16xf32>,
        %swap3A_484 = vector.shape_cast %swap3A_483 : vector<1x16xf32> to vector<16xf32>
        %swap3A_485 = vector.shape_cast %add3A_480 : vector<16xf32> to vector<1x16xf32>
        tpu.vector_store %arg9[%swap3A_481, %swap3A_482], %swap3A_485 {strides = array<i32>} : memref<200x64xf32, #tpu.memory_space<vmem>>, vector<1x16xf32>,
        %add3A_486 = arith.constant 50 : i32
        %add3A_487 = arith.addi %scan3A_315, %add3A_486 : i32
        %get3A_488 = arith.index_cast %add3A_487 : i32 to index
        %get3A_489 = arith.constant 48 : index
        %get3A_490 = tpu.vector_load %arg9[%get3A_488, %get3A_489] {strides = array<i32>} : memref<200x64xf32, #tpu.memory_space<vmem>>, vector<1x16xf32>,
        %get3A_491 = vector.shape_cast %get3A_490 : vector<1x16xf32> to vector<16xf32>
        %add3A_492 = arith.addf %get3A_491, %get3A_473 : vector<16xf32>
        %swap3A_493 = arith.index_cast %add3A_487 : i32 to index
        %swap3A_494 = arith.constant 48 : index
        %swap3A_495 = tpu.vector_load %arg9[%swap3A_493, %swap3A_494] {strides = array<i32>} : memref<200x64xf32, #tpu.memory_space<vmem>>, vector<1x16xf32>,
        %swap3A_496 = vector.shape_cast %swap3A_495 : vector<1x16xf32> to vector<16xf32>
        %swap3A_497 = vector.shape_cast %add3A_492 : vector<16xf32> to vector<1x16xf32>
        tpu.vector_store %arg9[%swap3A_493, %swap3A_494], %swap3A_497 {strides = array<i32>} : memref<200x64xf32, #tpu.memory_space<vmem>>, vector<1x16xf32>,
        %add3A_498 = arith.constant 100 : i32
        %add3A_499 = arith.addi %scan3A_315, %add3A_498 : i32
        %get3A_500 = arith.index_cast %add3A_499 : i32 to index
        %get3A_501 = arith.constant 48 : index
        %get3A_502 = tpu.vector_load %arg9[%get3A_500, %get3A_501] {strides = array<i32>} : memref<200x64xf32, #tpu.memory_space<vmem>>, vector<1x16xf32>,
        %get3A_503 = vector.shape_cast %get3A_502 : vector<1x16xf32> to vector<16xf32>
        %add3A_504 = arith.addf %get3A_503, %get3A_473 : vector<16xf32>
        %swap3A_505 = arith.index_cast %add3A_499 : i32 to index
        %swap3A_506 = arith.constant 48 : index
        %swap3A_507 = tpu.vector_load %arg9[%swap3A_505, %swap3A_506] {strides = array<i32>} : memref<200x64xf32, #tpu.memory_space<vmem>>, vector<1x16xf32>,
        %swap3A_508 = vector.shape_cast %swap3A_507 : vector<1x16xf32> to vector<16xf32>
        %swap3A_509 = vector.shape_cast %add3A_504 : vector<16xf32> to vector<1x16xf32>
        tpu.vector_store %arg9[%swap3A_505, %swap3A_506], %swap3A_509 {strides = array<i32>} : memref<200x64xf32, #tpu.memory_space<vmem>>, vector<1x16xf32>,
        %add3A_510 = arith.constant 150 : i32
        %add3A_511 = arith.addi %scan3A_315, %add3A_510 : i32
        %get3A_512 = arith.index_cast %add3A_511 : i32 to index
        %get3A_513 = arith.constant 48 : index
        %get3A_514 = tpu.vector_load %arg9[%get3A_512, %get3A_513] {strides = array<i32>} : memref<200x64xf32, #tpu.memory_space<vmem>>, vector<1x16xf32>,
        %get3A_515 = vector.shape_cast %get3A_514 : vector<1x16xf32> to vector<16xf32>
        %add3A_516 = arith.addf %get3A_515, %get3A_473 : vector<16xf32>
        %swap3A_517 = arith.index_cast %add3A_511 : i32 to index
        %swap3A_518 = arith.constant 48 : index
        %swap3A_519 = tpu.vector_load %arg9[%swap3A_517, %swap3A_518] {strides = array<i32>} : memref<200x64xf32, #tpu.memory_space<vmem>>, vector<1x16xf32>,
        %swap3A_520 = vector.shape_cast %swap3A_519 : vector<1x16xf32> to vector<16xf32>
        %swap3A_521 = vector.shape_cast %add3A_516 : vector<16xf32> to vector<1x16xf32>
        tpu.vector_store %arg9[%swap3A_517, %swap3A_518], %swap3A_521 {strides = array<i32>} : memref<200x64xf32, #tpu.memory_space<vmem>>, vector<1x16xf32>,
      }
      %scan3A_180 = arith.constant 50 : i32
      %mul3A_181 = arith.constant 200 : i32
      %mul3A_182 = arith.muli %add3A_119, %mul3A_181 : i32
      %add3A_183 = arith.addi %mul3A_2, %mul3A_182 : i32
      %dma_start3A_184 = arith.constant 0 : i32
      %dma_start3A_185 = tpu.memref_slice %arg5[%add3A_183, %dma_start3A_184] : memref<204800x64xf32, #tpu.memory_space<hbm>> -> memref<200x64xf32, #tpu.memory_space<hbm>>
      %dma_start3A_186 = arith.constant 0 : i32
      %dma_start3A_187 = tpu.memref_slice %arg5[%add3A_183, %dma_start3A_186] : memref<204800x64xf32, #tpu.memory_space<hbm>> -> memref<200x64xf32, #tpu.memory_space<hbm>>
      tpu.enqueue_dma source(%arg9 : memref<200x64xf32, #tpu.memory_space<vmem>>) target(%dma_start3A_187 : memref<200x64xf32, #tpu.memory_space<hbm>>) target_semaphore(%arg17 : memref<!tpu.dma_semaphore, #tpu.memory_space<semaphore_mem>>)
      %mul3A_188 = arith.constant 4 : i32
      %mul3A_189 = arith.muli %mul3A_188, %scan3A_46 : i32
      %add3A_190 = arith.constant 2 : i32
      %add3A_191 = arith.addi %mul3A_189, %add3A_190 : i32
      %gt3A_192 = arith.constant 0 : i32
      %gt3A_193 = arith.cmpi sgt, %scan3A_46, %gt3A_192 : i32
      %convert_element_type3A_194 = arith.extui %gt3A_193 : i1 to i32
      %cond3A_195 = arith.constant 0 : i32
      %cond3A_196 = arith.cmpi ne, %convert_element_type3A_194, %cond3A_195 : i32
      scf.if %cond3A_196 {
        %sub3A_315 = arith.constant 3 : i32
        %sub3A_316 = arith.subi %add3A_191, %sub3A_315 : i32
        %mul3A_317 = arith.constant 200 : i32
        %mul3A_318 = arith.muli %sub3A_316, %mul3A_317 : i32
        %add3A_319 = arith.addi %mul3A_2, %mul3A_318 : i32
        %dma_wait3A_320 = arith.constant 0 : i32
        %dma_wait3A_321 = tpu.memref_slice %arg5[%add3A_319, %dma_wait3A_320] : memref<204800x64xf32, #tpu.memory_space<hbm>> -> memref<200x64xf32, #tpu.memory_space<hbm>>
        %dma_wait3A_322 = arith.constant 0 : i32
        %dma_wait3A_323 = tpu.memref_slice %arg5[%add3A_319, %dma_wait3A_322] : memref<204800x64xf32, #tpu.memory_space<hbm>> -> memref<200x64xf32, #tpu.memory_space<hbm>>
        tpu.wait_dma2 semaphore(%arg19 : memref<!tpu.dma_semaphore, #tpu.memory_space<semaphore_mem>>) src(%arg11 : memref<200x64xf32, #tpu.memory_space<vmem>>) dst(%dma_wait3A_323 : memref<200x64xf32, #tpu.memory_space<hbm>>)
      } else {
      }
      %add3A_197 = arith.constant 1 : i32
      %add3A_198 = arith.addi %add3A_191, %add3A_197 : i32
      %mul3A_199 = arith.constant 2 : i32
      %mul3A_200 = arith.muli %mul3A_199, %add3A_198 : i32
      %dma_start3A_201 = arith.constant 0 : i32
      %dma_start3A_202 = arith.constant 0 : i32
      %dma_start3A_203 = tpu.memref_slice %arg11[%dma_start3A_201, %dma_start3A_202] : memref<200x64xf32, #tpu.memory_space<vmem>> -> memref<100x64xf32, #tpu.memory_space<vmem>>
      %dma_start3A_204 = arith.constant 0 : i32
      %dma_start3A_205 = tpu.memref_slice %arg6[%mul3A_200, %dma_start3A_204] : memref<64x100xi32, #tpu.memory_space<vmem>> -> memref<1x100xi32, #tpu.memory_space<vmem>>
      %dma_start3A_206 = tpu.memref_squeeze %dma_start3A_205 : memref<1x100xi32, #tpu.memory_space<vmem>> -> memref<100xi32, #tpu.memory_space<vmem>>
      %dma_start3A_207 = arith.constant 0 : i32
      %dma_start3A_208 = arith.constant 0 : i32
      %dma_start3A_209 = tpu.memref_slice %arg3[%dma_start3A_207, %dma_start3A_208] : memref<1015808x64xf32, #tpu.memory_space<hbm>> -> memref<1015808x64xf32, #tpu.memory_space<hbm>>
      tpu.enqueue_indirect_dma source(%dma_start3A_209 : memref<1015808x64xf32, #tpu.memory_space<hbm>>) target(%dma_start3A_203 : memref<100x64xf32, #tpu.memory_space<vmem>>) offsets(%dma_start3A_206 : memref<100xi32, #tpu.memory_space<vmem>>) semaphore(%arg15 : memref<!tpu.dma_semaphore, #tpu.memory_space<semaphore_mem>>)
      %mul3A_210 = arith.constant 2 : i32
      %mul3A_211 = arith.muli %mul3A_210, %add3A_198 : i32
      %add3A_212 = arith.constant 1 : i32
      %add3A_213 = arith.addi %mul3A_211, %add3A_212 : i32
      %dma_start3A_214 = arith.constant 100 : i32
      %dma_start3A_215 = arith.constant 0 : i32
      %dma_start3A_216 = tpu.memref_slice %arg11[%dma_start3A_214, %dma_start3A_215] : memref<200x64xf32, #tpu.memory_space<vmem>> -> memref<100x64xf32, #tpu.memory_space<vmem>>
      %dma_start3A_217 = arith.constant 0 : i32
      %dma_start3A_218 = tpu.memref_slice %arg6[%add3A_213, %dma_start3A_217] : memref<64x100xi32, #tpu.memory_space<vmem>> -> memref<1x100xi32, #tpu.memory_space<vmem>>
      %dma_start3A_219 = tpu.memref_squeeze %dma_start3A_218 : memref<1x100xi32, #tpu.memory_space<vmem>> -> memref<100xi32, #tpu.memory_space<vmem>>
      %dma_start3A_220 = arith.constant 0 : i32
      %dma_start3A_221 = arith.constant 0 : i32
      %dma_start3A_222 = tpu.memref_slice %arg3[%dma_start3A_220, %dma_start3A_221] : memref<1015808x64xf32, #tpu.memory_space<hbm>> -> memref<1015808x64xf32, #tpu.memory_space<hbm>>
      tpu.enqueue_indirect_dma source(%dma_start3A_222 : memref<1015808x64xf32, #tpu.memory_space<hbm>>) target(%dma_start3A_216 : memref<100x64xf32, #tpu.memory_space<vmem>>) offsets(%dma_start3A_219 : memref<100xi32, #tpu.memory_space<vmem>>) semaphore(%arg15 : memref<!tpu.dma_semaphore, #tpu.memory_space<semaphore_mem>>)
      %mul3A_223 = arith.constant 2 : i32
      %mul3A_224 = arith.muli %mul3A_223, %add3A_191 : i32
      %dma_wait3A_225 = arith.constant 0 : i32
      %dma_wait3A_226 = arith.constant 0 : i32
      %dma_wait3A_227 = tpu.memref_slice %arg10[%dma_wait3A_225, %dma_wait3A_226] : memref<200x64xf32, #tpu.memory_space<vmem>> -> memref<100x64xf32, #tpu.memory_space<vmem>>
      %dma_wait3A_228 = arith.constant 0 : i32
      %dma_wait3A_229 = tpu.memref_slice %arg6[%mul3A_224, %dma_wait3A_228] : memref<64x100xi32, #tpu.memory_space<vmem>> -> memref<1x100xi32, #tpu.memory_space<vmem>>
      %dma_wait3A_230 = tpu.memref_squeeze %dma_wait3A_229 : memref<1x100xi32, #tpu.memory_space<vmem>> -> memref<100xi32, #tpu.memory_space<vmem>>
      %dma_wait3A_231 = arith.constant 0 : i32
      %dma_wait3A_232 = arith.constant 0 : i32
      %dma_wait3A_233 = tpu.memref_slice %arg3[%dma_wait3A_231, %dma_wait3A_232] : memref<1015808x64xf32, #tpu.memory_space<hbm>> -> memref<1015808x64xf32, #tpu.memory_space<hbm>>
      tpu.wait_indirect_dma semaphore(%arg14 : memref<!tpu.dma_semaphore, #tpu.memory_space<semaphore_mem>>) src(%dma_wait3A_233 : memref<1015808x64xf32, #tpu.memory_space<hbm>>) dst(%dma_wait3A_227 : memref<100x64xf32, #tpu.memory_space<vmem>>)
      %mul3A_234 = arith.constant 2 : i32
      %mul3A_235 = arith.muli %mul3A_234, %add3A_191 : i32
      %add3A_236 = arith.constant 1 : i32
      %add3A_237 = arith.addi %mul3A_235, %add3A_236 : i32
      %dma_wait3A_238 = arith.constant 100 : i32
      %dma_wait3A_239 = arith.constant 0 : i32
      %dma_wait3A_240 = tpu.memref_slice %arg10[%dma_wait3A_238, %dma_wait3A_239] : memref<200x64xf32, #tpu.memory_space<vmem>> -> memref<100x64xf32, #tpu.memory_space<vmem>>
      %dma_wait3A_241 = arith.constant 0 : i32
      %dma_wait3A_242 = tpu.memref_slice %arg6[%add3A_237, %dma_wait3A_241] : memref<64x100xi32, #tpu.memory_space<vmem>> -> memref<1x100xi32, #tpu.memory_space<vmem>>
      %dma_wait3A_243 = tpu.memref_squeeze %dma_wait3A_242 : memref<1x100xi32, #tpu.memory_space<vmem>> -> memref<100xi32, #tpu.memory_space<vmem>>
      %dma_wait3A_244 = arith.constant 0 : i32
      %dma_wait3A_245 = arith.constant 0 : i32
      %dma_wait3A_246 = tpu.memref_slice %arg3[%dma_wait3A_244, %dma_wait3A_245] : memref<1015808x64xf32, #tpu.memory_space<hbm>> -> memref<1015808x64xf32, #tpu.memory_space<hbm>>
      tpu.wait_indirect_dma semaphore(%arg14 : memref<!tpu.dma_semaphore, #tpu.memory_space<semaphore_mem>>) src(%dma_wait3A_246 : memref<1015808x64xf32, #tpu.memory_space<hbm>>) dst(%dma_wait3A_240 : memref<100x64xf32, #tpu.memory_space<vmem>>)
      %scan3A_247 = arith.constant 0 : i32
      %scan3A_248 = arith.constant 0 : i32
      %scan3A_249 = arith.constant 50 : i32
      %scan3A_250 = arith.addi %scan3A_248, %scan3A_249 : i32
      %scan3A_251 = arith.constant 1 : i32
      scf.for %scan3A_315 = %scan3A_248 to %scan3A_250 step %scan3A_251  : i32 {
        %get3A = arith.index_cast %scan3A_315 : i32 to index
        %get3A_316 = arith.constant 0 : index
        %get3A_317 = tpu.vector_load %arg7[%get3A, %get3A_316] {strides = array<i32>} : memref<50x64xf32, #tpu.memory_space<vmem>>, vector<1x16xf32>,
        %get3A_318 = vector.shape_cast %get3A_317 : vector<1x16xf32> to vector<16xf32>
        %add3A_319 = arith.constant 0 : i32
        %add3A_320 = arith.addi %scan3A_315, %add3A_319 : i32
        %get3A_321 = arith.index_cast %add3A_320 : i32 to index
        %get3A_322 = arith.constant 0 : index
        %get3A_323 = tpu.vector_load %arg10[%get3A_321, %get3A_322] {strides = array<i32>} : memref<200x64xf32, #tpu.memory_space<vmem>>, vector<1x16xf32>,
        %get3A_324 = vector.shape_cast %get3A_323 : vector<1x16xf32> to vector<16xf32>
        %add3A_325 = arith.addf %get3A_324, %get3A_318 : vector<16xf32>
        %swap3A = arith.index_cast %add3A_320 : i32 to index
        %swap3A_326 = arith.constant 0 : index
        %swap3A_327 = tpu.vector_load %arg10[%swap3A, %swap3A_326] {strides = array<i32>} : memref<200x64xf32, #tpu.memory_space<vmem>>, vector<1x16xf32>,
        %swap3A_328 = vector.shape_cast %swap3A_327 : vector<1x16xf32> to vector<16xf32>
        %swap3A_329 = vector.shape_cast %add3A_325 : vector<16xf32> to vector<1x16xf32>
        tpu.vector_store %arg10[%swap3A, %swap3A_326], %swap3A_329 {strides = array<i32>} : memref<200x64xf32, #tpu.memory_space<vmem>>, vector<1x16xf32>,
        %add3A_330 = arith.constant 50 : i32
        %add3A_331 = arith.addi %scan3A_315, %add3A_330 : i32
        %get3A_332 = arith.index_cast %add3A_331 : i32 to index
        %get3A_333 = arith.constant 0 : index
        %get3A_334 = tpu.vector_load %arg10[%get3A_332, %get3A_333] {strides = array<i32>} : memref<200x64xf32, #tpu.memory_space<vmem>>, vector<1x16xf32>,
        %get3A_335 = vector.shape_cast %get3A_334 : vector<1x16xf32> to vector<16xf32>
        %add3A_336 = arith.addf %get3A_335, %get3A_318 : vector<16xf32>
        %swap3A_337 = arith.index_cast %add3A_331 : i32 to index
        %swap3A_338 = arith.constant 0 : index
        %swap3A_339 = tpu.vector_load %arg10[%swap3A_337, %swap3A_338] {strides = array<i32>} : memref<200x64xf32, #tpu.memory_space<vmem>>, vector<1x16xf32>,
        %swap3A_340 = vector.shape_cast %swap3A_339 : vector<1x16xf32> to vector<16xf32>
        %swap3A_341 = vector.shape_cast %add3A_336 : vector<16xf32> to vector<1x16xf32>
        tpu.vector_store %arg10[%swap3A_337, %swap3A_338], %swap3A_341 {strides = array<i32>} : memref<200x64xf32, #tpu.memory_space<vmem>>, vector<1x16xf32>,
        %add3A_342 = arith.constant 100 : i32
        %add3A_343 = arith.addi %scan3A_315, %add3A_342 : i32
        %get3A_344 = arith.index_cast %add3A_343 : i32 to index
        %get3A_345 = arith.constant 0 : index
        %get3A_346 = tpu.vector_load %arg10[%get3A_344, %get3A_345] {strides = array<i32>} : memref<200x64xf32, #tpu.memory_space<vmem>>, vector<1x16xf32>,
        %get3A_347 = vector.shape_cast %get3A_346 : vector<1x16xf32> to vector<16xf32>
        %add3A_348 = arith.addf %get3A_347, %get3A_318 : vector<16xf32>
        %swap3A_349 = arith.index_cast %add3A_343 : i32 to index
        %swap3A_350 = arith.constant 0 : index
        %swap3A_351 = tpu.vector_load %arg10[%swap3A_349, %swap3A_350] {strides = array<i32>} : memref<200x64xf32, #tpu.memory_space<vmem>>, vector<1x16xf32>,
        %swap3A_352 = vector.shape_cast %swap3A_351 : vector<1x16xf32> to vector<16xf32>
        %swap3A_353 = vector.shape_cast %add3A_348 : vector<16xf32> to vector<1x16xf32>
        tpu.vector_store %arg10[%swap3A_349, %swap3A_350], %swap3A_353 {strides = array<i32>} : memref<200x64xf32, #tpu.memory_space<vmem>>, vector<1x16xf32>,
        %add3A_354 = arith.constant 150 : i32
        %add3A_355 = arith.addi %scan3A_315, %add3A_354 : i32
        %get3A_356 = arith.index_cast %add3A_355 : i32 to index
        %get3A_357 = arith.constant 0 : index
        %get3A_358 = tpu.vector_load %arg10[%get3A_356, %get3A_357] {strides = array<i32>} : memref<200x64xf32, #tpu.memory_space<vmem>>, vector<1x16xf32>,
        %get3A_359 = vector.shape_cast %get3A_358 : vector<1x16xf32> to vector<16xf32>
        %add3A_360 = arith.addf %get3A_359, %get3A_318 : vector<16xf32>
        %swap3A_361 = arith.index_cast %add3A_355 : i32 to index
        %swap3A_362 = arith.constant 0 : index
        %swap3A_363 = tpu.vector_load %arg10[%swap3A_361, %swap3A_362] {strides = array<i32>} : memref<200x64xf32, #tpu.memory_space<vmem>>, vector<1x16xf32>,
        %swap3A_364 = vector.shape_cast %swap3A_363 : vector<1x16xf32> to vector<16xf32>
        %swap3A_365 = vector.shape_cast %add3A_360 : vector<16xf32> to vector<1x16xf32>
        tpu.vector_store %arg10[%swap3A_361, %swap3A_362], %swap3A_365 {strides = array<i32>} : memref<200x64xf32, #tpu.memory_space<vmem>>, vector<1x16xf32>,
        %get3A_366 = arith.index_cast %scan3A_315 : i32 to index
        %get3A_367 = arith.constant 16 : index
        %get3A_368 = tpu.vector_load %arg7[%get3A_366, %get3A_367] {strides = array<i32>} : memref<50x64xf32, #tpu.memory_space<vmem>>, vector<1x16xf32>,
        %get3A_369 = vector.shape_cast %get3A_368 : vector<1x16xf32> to vector<16xf32>
        %add3A_370 = arith.constant 0 : i32
        %add3A_371 = arith.addi %scan3A_315, %add3A_370 : i32
        %get3A_372 = arith.index_cast %add3A_371 : i32 to index
        %get3A_373 = arith.constant 16 : index
        %get3A_374 = tpu.vector_load %arg10[%get3A_372, %get3A_373] {strides = array<i32>} : memref<200x64xf32, #tpu.memory_space<vmem>>, vector<1x16xf32>,
        %get3A_375 = vector.shape_cast %get3A_374 : vector<1x16xf32> to vector<16xf32>
        %add3A_376 = arith.addf %get3A_375, %get3A_369 : vector<16xf32>
        %swap3A_377 = arith.index_cast %add3A_371 : i32 to index
        %swap3A_378 = arith.constant 16 : index
        %swap3A_379 = tpu.vector_load %arg10[%swap3A_377, %swap3A_378] {strides = array<i32>} : memref<200x64xf32, #tpu.memory_space<vmem>>, vector<1x16xf32>,
        %swap3A_380 = vector.shape_cast %swap3A_379 : vector<1x16xf32> to vector<16xf32>
        %swap3A_381 = vector.shape_cast %add3A_376 : vector<16xf32> to vector<1x16xf32>
        tpu.vector_store %arg10[%swap3A_377, %swap3A_378], %swap3A_381 {strides = array<i32>} : memref<200x64xf32, #tpu.memory_space<vmem>>, vector<1x16xf32>,
        %add3A_382 = arith.constant 50 : i32
        %add3A_383 = arith.addi %scan3A_315, %add3A_382 : i32
        %get3A_384 = arith.index_cast %add3A_383 : i32 to index
        %get3A_385 = arith.constant 16 : index
        %get3A_386 = tpu.vector_load %arg10[%get3A_384, %get3A_385] {strides = array<i32>} : memref<200x64xf32, #tpu.memory_space<vmem>>, vector<1x16xf32>,
        %get3A_387 = vector.shape_cast %get3A_386 : vector<1x16xf32> to vector<16xf32>
        %add3A_388 = arith.addf %get3A_387, %get3A_369 : vector<16xf32>
        %swap3A_389 = arith.index_cast %add3A_383 : i32 to index
        %swap3A_390 = arith.constant 16 : index
        %swap3A_391 = tpu.vector_load %arg10[%swap3A_389, %swap3A_390] {strides = array<i32>} : memref<200x64xf32, #tpu.memory_space<vmem>>, vector<1x16xf32>,
        %swap3A_392 = vector.shape_cast %swap3A_391 : vector<1x16xf32> to vector<16xf32>
        %swap3A_393 = vector.shape_cast %add3A_388 : vector<16xf32> to vector<1x16xf32>
        tpu.vector_store %arg10[%swap3A_389, %swap3A_390], %swap3A_393 {strides = array<i32>} : memref<200x64xf32, #tpu.memory_space<vmem>>, vector<1x16xf32>,
        %add3A_394 = arith.constant 100 : i32
        %add3A_395 = arith.addi %scan3A_315, %add3A_394 : i32
        %get3A_396 = arith.index_cast %add3A_395 : i32 to index
        %get3A_397 = arith.constant 16 : index
        %get3A_398 = tpu.vector_load %arg10[%get3A_396, %get3A_397] {strides = array<i32>} : memref<200x64xf32, #tpu.memory_space<vmem>>, vector<1x16xf32>,
        %get3A_399 = vector.shape_cast %get3A_398 : vector<1x16xf32> to vector<16xf32>
        %add3A_400 = arith.addf %get3A_399, %get3A_369 : vector<16xf32>
        %swap3A_401 = arith.index_cast %add3A_395 : i32 to index
        %swap3A_402 = arith.constant 16 : index
        %swap3A_403 = tpu.vector_load %arg10[%swap3A_401, %swap3A_402] {strides = array<i32>} : memref<200x64xf32, #tpu.memory_space<vmem>>, vector<1x16xf32>,
        %swap3A_404 = vector.shape_cast %swap3A_403 : vector<1x16xf32> to vector<16xf32>
        %swap3A_405 = vector.shape_cast %add3A_400 : vector<16xf32> to vector<1x16xf32>
        tpu.vector_store %arg10[%swap3A_401, %swap3A_402], %swap3A_405 {strides = array<i32>} : memref<200x64xf32, #tpu.memory_space<vmem>>, vector<1x16xf32>,
        %add3A_406 = arith.constant 150 : i32
        %add3A_407 = arith.addi %scan3A_315, %add3A_406 : i32
        %get3A_408 = arith.index_cast %add3A_407 : i32 to index
        %get3A_409 = arith.constant 16 : index
        %get3A_410 = tpu.vector_load %arg10[%get3A_408, %get3A_409] {strides = array<i32>} : memref<200x64xf32, #tpu.memory_space<vmem>>, vector<1x16xf32>,
        %get3A_411 = vector.shape_cast %get3A_410 : vector<1x16xf32> to vector<16xf32>
        %add3A_412 = arith.addf %get3A_411, %get3A_369 : vector<16xf32>
        %swap3A_413 = arith.index_cast %add3A_407 : i32 to index
        %swap3A_414 = arith.constant 16 : index
        %swap3A_415 = tpu.vector_load %arg10[%swap3A_413, %swap3A_414] {strides = array<i32>} : memref<200x64xf32, #tpu.memory_space<vmem>>, vector<1x16xf32>,
        %swap3A_416 = vector.shape_cast %swap3A_415 : vector<1x16xf32> to vector<16xf32>
        %swap3A_417 = vector.shape_cast %add3A_412 : vector<16xf32> to vector<1x16xf32>
        tpu.vector_store %arg10[%swap3A_413, %swap3A_414], %swap3A_417 {strides = array<i32>} : memref<200x64xf32, #tpu.memory_space<vmem>>, vector<1x16xf32>,
        %get3A_418 = arith.index_cast %scan3A_315 : i32 to index
        %get3A_419 = arith.constant 32 : index
        %get3A_420 = tpu.vector_load %arg7[%get3A_418, %get3A_419] {strides = array<i32>} : memref<50x64xf32, #tpu.memory_space<vmem>>, vector<1x16xf32>,
        %get3A_421 = vector.shape_cast %get3A_420 : vector<1x16xf32> to vector<16xf32>
        %add3A_422 = arith.constant 0 : i32
        %add3A_423 = arith.addi %scan3A_315, %add3A_422 : i32
        %get3A_424 = arith.index_cast %add3A_423 : i32 to index
        %get3A_425 = arith.constant 32 : index
        %get3A_426 = tpu.vector_load %arg10[%get3A_424, %get3A_425] {strides = array<i32>} : memref<200x64xf32, #tpu.memory_space<vmem>>, vector<1x16xf32>,
        %get3A_427 = vector.shape_cast %get3A_426 : vector<1x16xf32> to vector<16xf32>
        %add3A_428 = arith.addf %get3A_427, %get3A_421 : vector<16xf32>
        %swap3A_429 = arith.index_cast %add3A_423 : i32 to index
        %swap3A_430 = arith.constant 32 : index
        %swap3A_431 = tpu.vector_load %arg10[%swap3A_429, %swap3A_430] {strides = array<i32>} : memref<200x64xf32, #tpu.memory_space<vmem>>, vector<1x16xf32>,
        %swap3A_432 = vector.shape_cast %swap3A_431 : vector<1x16xf32> to vector<16xf32>
        %swap3A_433 = vector.shape_cast %add3A_428 : vector<16xf32> to vector<1x16xf32>
        tpu.vector_store %arg10[%swap3A_429, %swap3A_430], %swap3A_433 {strides = array<i32>} : memref<200x64xf32, #tpu.memory_space<vmem>>, vector<1x16xf32>,
        %add3A_434 = arith.constant 50 : i32
        %add3A_435 = arith.addi %scan3A_315, %add3A_434 : i32
        %get3A_436 = arith.index_cast %add3A_435 : i32 to index
        %get3A_437 = arith.constant 32 : index
        %get3A_438 = tpu.vector_load %arg10[%get3A_436, %get3A_437] {strides = array<i32>} : memref<200x64xf32, #tpu.memory_space<vmem>>, vector<1x16xf32>,
        %get3A_439 = vector.shape_cast %get3A_438 : vector<1x16xf32> to vector<16xf32>
        %add3A_440 = arith.addf %get3A_439, %get3A_421 : vector<16xf32>
        %swap3A_441 = arith.index_cast %add3A_435 : i32 to index
        %swap3A_442 = arith.constant 32 : index
        %swap3A_443 = tpu.vector_load %arg10[%swap3A_441, %swap3A_442] {strides = array<i32>} : memref<200x64xf32, #tpu.memory_space<vmem>>, vector<1x16xf32>,
        %swap3A_444 = vector.shape_cast %swap3A_443 : vector<1x16xf32> to vector<16xf32>
        %swap3A_445 = vector.shape_cast %add3A_440 : vector<16xf32> to vector<1x16xf32>
        tpu.vector_store %arg10[%swap3A_441, %swap3A_442], %swap3A_445 {strides = array<i32>} : memref<200x64xf32, #tpu.memory_space<vmem>>, vector<1x16xf32>,
        %add3A_446 = arith.constant 100 : i32
        %add3A_447 = arith.addi %scan3A_315, %add3A_446 : i32
        %get3A_448 = arith.index_cast %add3A_447 : i32 to index
        %get3A_449 = arith.constant 32 : index
        %get3A_450 = tpu.vector_load %arg10[%get3A_448, %get3A_449] {strides = array<i32>} : memref<200x64xf32, #tpu.memory_space<vmem>>, vector<1x16xf32>,
        %get3A_451 = vector.shape_cast %get3A_450 : vector<1x16xf32> to vector<16xf32>
        %add3A_452 = arith.addf %get3A_451, %get3A_421 : vector<16xf32>
        %swap3A_453 = arith.index_cast %add3A_447 : i32 to index
        %swap3A_454 = arith.constant 32 : index
        %swap3A_455 = tpu.vector_load %arg10[%swap3A_453, %swap3A_454] {strides = array<i32>} : memref<200x64xf32, #tpu.memory_space<vmem>>, vector<1x16xf32>,
        %swap3A_456 = vector.shape_cast %swap3A_455 : vector<1x16xf32> to vector<16xf32>
        %swap3A_457 = vector.shape_cast %add3A_452 : vector<16xf32> to vector<1x16xf32>
        tpu.vector_store %arg10[%swap3A_453, %swap3A_454], %swap3A_457 {strides = array<i32>} : memref<200x64xf32, #tpu.memory_space<vmem>>, vector<1x16xf32>,
        %add3A_458 = arith.constant 150 : i32
        %add3A_459 = arith.addi %scan3A_315, %add3A_458 : i32
        %get3A_460 = arith.index_cast %add3A_459 : i32 to index
        %get3A_461 = arith.constant 32 : index
        %get3A_462 = tpu.vector_load %arg10[%get3A_460, %get3A_461] {strides = array<i32>} : memref<200x64xf32, #tpu.memory_space<vmem>>, vector<1x16xf32>,
        %get3A_463 = vector.shape_cast %get3A_462 : vector<1x16xf32> to vector<16xf32>
        %add3A_464 = arith.addf %get3A_463, %get3A_421 : vector<16xf32>
        %swap3A_465 = arith.index_cast %add3A_459 : i32 to index
        %swap3A_466 = arith.constant 32 : index
        %swap3A_467 = tpu.vector_load %arg10[%swap3A_465, %swap3A_466] {strides = array<i32>} : memref<200x64xf32, #tpu.memory_space<vmem>>, vector<1x16xf32>,
        %swap3A_468 = vector.shape_cast %swap3A_467 : vector<1x16xf32> to vector<16xf32>
        %swap3A_469 = vector.shape_cast %add3A_464 : vector<16xf32> to vector<1x16xf32>
        tpu.vector_store %arg10[%swap3A_465, %swap3A_466], %swap3A_469 {strides = array<i32>} : memref<200x64xf32, #tpu.memory_space<vmem>>, vector<1x16xf32>,
        %get3A_470 = arith.index_cast %scan3A_315 : i32 to index
        %get3A_471 = arith.constant 48 : index
        %get3A_472 = tpu.vector_load %arg7[%get3A_470, %get3A_471] {strides = array<i32>} : memref<50x64xf32, #tpu.memory_space<vmem>>, vector<1x16xf32>,
        %get3A_473 = vector.shape_cast %get3A_472 : vector<1x16xf32> to vector<16xf32>
        %add3A_474 = arith.constant 0 : i32
        %add3A_475 = arith.addi %scan3A_315, %add3A_474 : i32
        %get3A_476 = arith.index_cast %add3A_475 : i32 to index
        %get3A_477 = arith.constant 48 : index
        %get3A_478 = tpu.vector_load %arg10[%get3A_476, %get3A_477] {strides = array<i32>} : memref<200x64xf32, #tpu.memory_space<vmem>>, vector<1x16xf32>,
        %get3A_479 = vector.shape_cast %get3A_478 : vector<1x16xf32> to vector<16xf32>
        %add3A_480 = arith.addf %get3A_479, %get3A_473 : vector<16xf32>
        %swap3A_481 = arith.index_cast %add3A_475 : i32 to index
        %swap3A_482 = arith.constant 48 : index
        %swap3A_483 = tpu.vector_load %arg10[%swap3A_481, %swap3A_482] {strides = array<i32>} : memref<200x64xf32, #tpu.memory_space<vmem>>, vector<1x16xf32>,
        %swap3A_484 = vector.shape_cast %swap3A_483 : vector<1x16xf32> to vector<16xf32>
        %swap3A_485 = vector.shape_cast %add3A_480 : vector<16xf32> to vector<1x16xf32>
        tpu.vector_store %arg10[%swap3A_481, %swap3A_482], %swap3A_485 {strides = array<i32>} : memref<200x64xf32, #tpu.memory_space<vmem>>, vector<1x16xf32>,
        %add3A_486 = arith.constant 50 : i32
        %add3A_487 = arith.addi %scan3A_315, %add3A_486 : i32
        %get3A_488 = arith.index_cast %add3A_487 : i32 to index
        %get3A_489 = arith.constant 48 : index
        %get3A_490 = tpu.vector_load %arg10[%get3A_488, %get3A_489] {strides = array<i32>} : memref<200x64xf32, #tpu.memory_space<vmem>>, vector<1x16xf32>,
        %get3A_491 = vector.shape_cast %get3A_490 : vector<1x16xf32> to vector<16xf32>
        %add3A_492 = arith.addf %get3A_491, %get3A_473 : vector<16xf32>
        %swap3A_493 = arith.index_cast %add3A_487 : i32 to index
        %swap3A_494 = arith.constant 48 : index
        %swap3A_495 = tpu.vector_load %arg10[%swap3A_493, %swap3A_494] {strides = array<i32>} : memref<200x64xf32, #tpu.memory_space<vmem>>, vector<1x16xf32>,
        %swap3A_496 = vector.shape_cast %swap3A_495 : vector<1x16xf32> to vector<16xf32>
        %swap3A_497 = vector.shape_cast %add3A_492 : vector<16xf32> to vector<1x16xf32>
        tpu.vector_store %arg10[%swap3A_493, %swap3A_494], %swap3A_497 {strides = array<i32>} : memref<200x64xf32, #tpu.memory_space<vmem>>, vector<1x16xf32>,
        %add3A_498 = arith.constant 100 : i32
        %add3A_499 = arith.addi %scan3A_315, %add3A_498 : i32
        %get3A_500 = arith.index_cast %add3A_499 : i32 to index
        %get3A_501 = arith.constant 48 : index
        %get3A_502 = tpu.vector_load %arg10[%get3A_500, %get3A_501] {strides = array<i32>} : memref<200x64xf32, #tpu.memory_space<vmem>>, vector<1x16xf32>,
        %get3A_503 = vector.shape_cast %get3A_502 : vector<1x16xf32> to vector<16xf32>
        %add3A_504 = arith.addf %get3A_503, %get3A_473 : vector<16xf32>
        %swap3A_505 = arith.index_cast %add3A_499 : i32 to index
        %swap3A_506 = arith.constant 48 : index
        %swap3A_507 = tpu.vector_load %arg10[%swap3A_505, %swap3A_506] {strides = array<i32>} : memref<200x64xf32, #tpu.memory_space<vmem>>, vector<1x16xf32>,
        %swap3A_508 = vector.shape_cast %swap3A_507 : vector<1x16xf32> to vector<16xf32>
        %swap3A_509 = vector.shape_cast %add3A_504 : vector<16xf32> to vector<1x16xf32>
        tpu.vector_store %arg10[%swap3A_505, %swap3A_506], %swap3A_509 {strides = array<i32>} : memref<200x64xf32, #tpu.memory_space<vmem>>, vector<1x16xf32>,
        %add3A_510 = arith.constant 150 : i32
        %add3A_511 = arith.addi %scan3A_315, %add3A_510 : i32
        %get3A_512 = arith.index_cast %add3A_511 : i32 to index
        %get3A_513 = arith.constant 48 : index
        %get3A_514 = tpu.vector_load %arg10[%get3A_512, %get3A_513] {strides = array<i32>} : memref<200x64xf32, #tpu.memory_space<vmem>>, vector<1x16xf32>,
        %get3A_515 = vector.shape_cast %get3A_514 : vector<1x16xf32> to vector<16xf32>
        %add3A_516 = arith.addf %get3A_515, %get3A_473 : vector<16xf32>
        %swap3A_517 = arith.index_cast %add3A_511 : i32 to index
        %swap3A_518 = arith.constant 48 : index
        %swap3A_519 = tpu.vector_load %arg10[%swap3A_517, %swap3A_518] {strides = array<i32>} : memref<200x64xf32, #tpu.memory_space<vmem>>, vector<1x16xf32>,
        %swap3A_520 = vector.shape_cast %swap3A_519 : vector<1x16xf32> to vector<16xf32>
        %swap3A_521 = vector.shape_cast %add3A_516 : vector<16xf32> to vector<1x16xf32>
        tpu.vector_store %arg10[%swap3A_517, %swap3A_518], %swap3A_521 {strides = array<i32>} : memref<200x64xf32, #tpu.memory_space<vmem>>, vector<1x16xf32>,
      }
      %scan3A_252 = arith.constant 50 : i32
      %mul3A_253 = arith.constant 200 : i32
      %mul3A_254 = arith.muli %add3A_191, %mul3A_253 : i32
      %add3A_255 = arith.addi %mul3A_2, %mul3A_254 : i32
      %dma_start3A_256 = arith.constant 0 : i32
      %dma_start3A_257 = tpu.memref_slice %arg5[%add3A_255, %dma_start3A_256] : memref<204800x64xf32, #tpu.memory_space<hbm>> -> memref<200x64xf32, #tpu.memory_space<hbm>>
      %dma_start3A_258 = arith.constant 0 : i32
      %dma_start3A_259 = tpu.memref_slice %arg5[%add3A_255, %dma_start3A_258] : memref<204800x64xf32, #tpu.memory_space<hbm>> -> memref<200x64xf32, #tpu.memory_space<hbm>>
      tpu.enqueue_dma source(%arg10 : memref<200x64xf32, #tpu.memory_space<vmem>>) target(%dma_start3A_259 : memref<200x64xf32, #tpu.memory_space<hbm>>) target_semaphore(%arg18 : memref<!tpu.dma_semaphore, #tpu.memory_space<semaphore_mem>>)
      %mul3A_260 = arith.constant 4 : i32
      %mul3A_261 = arith.muli %mul3A_260, %scan3A_46 : i32
      %add3A_262 = arith.constant 3 : i32
      %add3A_263 = arith.addi %mul3A_261, %add3A_262 : i32
      %sub3A = arith.constant 3 : i32
      %sub3A_264 = arith.subi %add3A_263, %sub3A : i32
      %mul3A_265 = arith.constant 200 : i32
      %mul3A_266 = arith.muli %sub3A_264, %mul3A_265 : i32
      %add3A_267 = arith.addi %mul3A_2, %mul3A_266 : i32
      %dma_wait3A_268 = arith.constant 0 : i32
      %dma_wait3A_269 = tpu.memref_slice %arg5[%add3A_267, %dma_wait3A_268] : memref<204800x64xf32, #tpu.memory_space<hbm>> -> memref<200x64xf32, #tpu.memory_space<hbm>>
      %dma_wait3A_270 = arith.constant 0 : i32
      %dma_wait3A_271 = tpu.memref_slice %arg5[%add3A_267, %dma_wait3A_270] : memref<204800x64xf32, #tpu.memory_space<hbm>> -> memref<200x64xf32, #tpu.memory_space<hbm>>
      tpu.wait_dma2 semaphore(%arg16 : memref<!tpu.dma_semaphore, #tpu.memory_space<semaphore_mem>>) src(%arg8 : memref<200x64xf32, #tpu.memory_space<vmem>>) dst(%dma_wait3A_271 : memref<200x64xf32, #tpu.memory_space<hbm>>)
      %add3A_272 = arith.constant 1 : i32
      %add3A_273 = arith.addi %add3A_263, %add3A_272 : i32
      %lt3A = arith.constant 32 : i32
      %lt3A_274 = arith.cmpi slt, %add3A_273, %lt3A : i32
      %convert_element_type3A_275 = arith.extui %lt3A_274 : i1 to i32
      %cond3A_276 = arith.constant 0 : i32
      %cond3A_277 = arith.cmpi ne, %convert_element_type3A_275, %cond3A_276 : i32
      scf.if %cond3A_277 {
        %add3A_315 = arith.constant 1 : i32
        %add3A_316 = arith.addi %add3A_263, %add3A_315 : i32
        %mul3A_317 = arith.constant 2 : i32
        %mul3A_318 = arith.muli %mul3A_317, %add3A_316 : i32
        %dma_start3A_319 = arith.constant 0 : i32
        %dma_start3A_320 = arith.constant 0 : i32
        %dma_start3A_321 = tpu.memref_slice %arg8[%dma_start3A_319, %dma_start3A_320] : memref<200x64xf32, #tpu.memory_space<vmem>> -> memref<100x64xf32, #tpu.memory_space<vmem>>
        %dma_start3A_322 = arith.constant 0 : i32
        %dma_start3A_323 = tpu.memref_slice %arg6[%mul3A_318, %dma_start3A_322] : memref<64x100xi32, #tpu.memory_space<vmem>> -> memref<1x100xi32, #tpu.memory_space<vmem>>
        %dma_start3A_324 = tpu.memref_squeeze %dma_start3A_323 : memref<1x100xi32, #tpu.memory_space<vmem>> -> memref<100xi32, #tpu.memory_space<vmem>>
        %dma_start3A_325 = arith.constant 0 : i32
        %dma_start3A_326 = arith.constant 0 : i32
        %dma_start3A_327 = tpu.memref_slice %arg3[%dma_start3A_325, %dma_start3A_326] : memref<1015808x64xf32, #tpu.memory_space<hbm>> -> memref<1015808x64xf32, #tpu.memory_space<hbm>>
        tpu.enqueue_indirect_dma source(%dma_start3A_327 : memref<1015808x64xf32, #tpu.memory_space<hbm>>) target(%dma_start3A_321 : memref<100x64xf32, #tpu.memory_space<vmem>>) offsets(%dma_start3A_324 : memref<100xi32, #tpu.memory_space<vmem>>) semaphore(%arg12 : memref<!tpu.dma_semaphore, #tpu.memory_space<semaphore_mem>>)
        %mul3A_328 = arith.constant 2 : i32
        %mul3A_329 = arith.muli %mul3A_328, %add3A_316 : i32
        %add3A_330 = arith.constant 1 : i32
        %add3A_331 = arith.addi %mul3A_329, %add3A_330 : i32
        %dma_start3A_332 = arith.constant 100 : i32
        %dma_start3A_333 = arith.constant 0 : i32
        %dma_start3A_334 = tpu.memref_slice %arg8[%dma_start3A_332, %dma_start3A_333] : memref<200x64xf32, #tpu.memory_space<vmem>> -> memref<100x64xf32, #tpu.memory_space<vmem>>
        %dma_start3A_335 = arith.constant 0 : i32
        %dma_start3A_336 = tpu.memref_slice %arg6[%add3A_331, %dma_start3A_335] : memref<64x100xi32, #tpu.memory_space<vmem>> -> memref<1x100xi32, #tpu.memory_space<vmem>>
        %dma_start3A_337 = tpu.memref_squeeze %dma_start3A_336 : memref<1x100xi32, #tpu.memory_space<vmem>> -> memref<100xi32, #tpu.memory_space<vmem>>
        %dma_start3A_338 = arith.constant 0 : i32
        %dma_start3A_339 = arith.constant 0 : i32
        %dma_start3A_340 = tpu.memref_slice %arg3[%dma_start3A_338, %dma_start3A_339] : memref<1015808x64xf32, #tpu.memory_space<hbm>> -> memref<1015808x64xf32, #tpu.memory_space<hbm>>
        tpu.enqueue_indirect_dma source(%dma_start3A_340 : memref<1015808x64xf32, #tpu.memory_space<hbm>>) target(%dma_start3A_334 : memref<100x64xf32, #tpu.memory_space<vmem>>) offsets(%dma_start3A_337 : memref<100xi32, #tpu.memory_space<vmem>>) semaphore(%arg12 : memref<!tpu.dma_semaphore, #tpu.memory_space<semaphore_mem>>)
      } else {
      }
      %mul3A_278 = arith.constant 2 : i32
      %mul3A_279 = arith.muli %mul3A_278, %add3A_263 : i32
      %dma_wait3A_280 = arith.constant 0 : i32
      %dma_wait3A_281 = arith.constant 0 : i32
      %dma_wait3A_282 = tpu.memref_slice %arg11[%dma_wait3A_280, %dma_wait3A_281] : memref<200x64xf32, #tpu.memory_space<vmem>> -> memref<100x64xf32, #tpu.memory_space<vmem>>
      %dma_wait3A_283 = arith.constant 0 : i32
      %dma_wait3A_284 = tpu.memref_slice %arg6[%mul3A_279, %dma_wait3A_283] : memref<64x100xi32, #tpu.memory_space<vmem>> -> memref<1x100xi32, #tpu.memory_space<vmem>>
      %dma_wait3A_285 = tpu.memref_squeeze %dma_wait3A_284 : memref<1x100xi32, #tpu.memory_space<vmem>> -> memref<100xi32, #tpu.memory_space<vmem>>
      %dma_wait3A_286 = arith.constant 0 : i32
      %dma_wait3A_287 = arith.constant 0 : i32
      %dma_wait3A_288 = tpu.memref_slice %arg3[%dma_wait3A_286, %dma_wait3A_287] : memref<1015808x64xf32, #tpu.memory_space<hbm>> -> memref<1015808x64xf32, #tpu.memory_space<hbm>>
      tpu.wait_indirect_dma semaphore(%arg15 : memref<!tpu.dma_semaphore, #tpu.memory_space<semaphore_mem>>) src(%dma_wait3A_288 : memref<1015808x64xf32, #tpu.memory_space<hbm>>) dst(%dma_wait3A_282 : memref<100x64xf32, #tpu.memory_space<vmem>>)
      %mul3A_289 = arith.constant 2 : i32
      %mul3A_290 = arith.muli %mul3A_289, %add3A_263 : i32
      %add3A_291 = arith.constant 1 : i32
      %add3A_292 = arith.addi %mul3A_290, %add3A_291 : i32
      %dma_wait3A_293 = arith.constant 100 : i32
      %dma_wait3A_294 = arith.constant 0 : i32
      %dma_wait3A_295 = tpu.memref_slice %arg11[%dma_wait3A_293, %dma_wait3A_294] : memref<200x64xf32, #tpu.memory_space<vmem>> -> memref<100x64xf32, #tpu.memory_space<vmem>>
      %dma_wait3A_296 = arith.constant 0 : i32
      %dma_wait3A_297 = tpu.memref_slice %arg6[%add3A_292, %dma_wait3A_296] : memref<64x100xi32, #tpu.memory_space<vmem>> -> memref<1x100xi32, #tpu.memory_space<vmem>>
      %dma_wait3A_298 = tpu.memref_squeeze %dma_wait3A_297 : memref<1x100xi32, #tpu.memory_space<vmem>> -> memref<100xi32, #tpu.memory_space<vmem>>
      %dma_wait3A_299 = arith.constant 0 : i32
      %dma_wait3A_300 = arith.constant 0 : i32
      %dma_wait3A_301 = tpu.memref_slice %arg3[%dma_wait3A_299, %dma_wait3A_300] : memref<1015808x64xf32, #tpu.memory_space<hbm>> -> memref<1015808x64xf32, #tpu.memory_space<hbm>>
      tpu.wait_indirect_dma semaphore(%arg15 : memref<!tpu.dma_semaphore, #tpu.memory_space<semaphore_mem>>) src(%dma_wait3A_301 : memref<1015808x64xf32, #tpu.memory_space<hbm>>) dst(%dma_wait3A_295 : memref<100x64xf32, #tpu.memory_space<vmem>>)
      %scan3A_302 = arith.constant 0 : i32
      %scan3A_303 = arith.constant 0 : i32
      %scan3A_304 = arith.constant 50 : i32
      %scan3A_305 = arith.addi %scan3A_303, %scan3A_304 : i32
      %scan3A_306 = arith.constant 1 : i32
      scf.for %scan3A_315 = %scan3A_303 to %scan3A_305 step %scan3A_306  : i32 {
        %get3A = arith.index_cast %scan3A_315 : i32 to index
        %get3A_316 = arith.constant 0 : index
        %get3A_317 = tpu.vector_load %arg7[%get3A, %get3A_316] {strides = array<i32>} : memref<50x64xf32, #tpu.memory_space<vmem>>, vector<1x16xf32>,
        %get3A_318 = vector.shape_cast %get3A_317 : vector<1x16xf32> to vector<16xf32>
        %add3A_319 = arith.constant 0 : i32
        %add3A_320 = arith.addi %scan3A_315, %add3A_319 : i32
        %get3A_321 = arith.index_cast %add3A_320 : i32 to index
        %get3A_322 = arith.constant 0 : index
        %get3A_323 = tpu.vector_load %arg11[%get3A_321, %get3A_322] {strides = array<i32>} : memref<200x64xf32, #tpu.memory_space<vmem>>, vector<1x16xf32>,
        %get3A_324 = vector.shape_cast %get3A_323 : vector<1x16xf32> to vector<16xf32>
        %add3A_325 = arith.addf %get3A_324, %get3A_318 : vector<16xf32>
        %swap3A = arith.index_cast %add3A_320 : i32 to index
        %swap3A_326 = arith.constant 0 : index
        %swap3A_327 = tpu.vector_load %arg11[%swap3A, %swap3A_326] {strides = array<i32>} : memref<200x64xf32, #tpu.memory_space<vmem>>, vector<1x16xf32>,
        %swap3A_328 = vector.shape_cast %swap3A_327 : vector<1x16xf32> to vector<16xf32>
        %swap3A_329 = vector.shape_cast %add3A_325 : vector<16xf32> to vector<1x16xf32>
        tpu.vector_store %arg11[%swap3A, %swap3A_326], %swap3A_329 {strides = array<i32>} : memref<200x64xf32, #tpu.memory_space<vmem>>, vector<1x16xf32>,
        %add3A_330 = arith.constant 50 : i32
        %add3A_331 = arith.addi %scan3A_315, %add3A_330 : i32
        %get3A_332 = arith.index_cast %add3A_331 : i32 to index
        %get3A_333 = arith.constant 0 : index
        %get3A_334 = tpu.vector_load %arg11[%get3A_332, %get3A_333] {strides = array<i32>} : memref<200x64xf32, #tpu.memory_space<vmem>>, vector<1x16xf32>,
        %get3A_335 = vector.shape_cast %get3A_334 : vector<1x16xf32> to vector<16xf32>
        %add3A_336 = arith.addf %get3A_335, %get3A_318 : vector<16xf32>
        %swap3A_337 = arith.index_cast %add3A_331 : i32 to index
        %swap3A_338 = arith.constant 0 : index
        %swap3A_339 = tpu.vector_load %arg11[%swap3A_337, %swap3A_338] {strides = array<i32>} : memref<200x64xf32, #tpu.memory_space<vmem>>, vector<1x16xf32>,
        %swap3A_340 = vector.shape_cast %swap3A_339 : vector<1x16xf32> to vector<16xf32>
        %swap3A_341 = vector.shape_cast %add3A_336 : vector<16xf32> to vector<1x16xf32>
        tpu.vector_store %arg11[%swap3A_337, %swap3A_338], %swap3A_341 {strides = array<i32>} : memref<200x64xf32, #tpu.memory_space<vmem>>, vector<1x16xf32>,
        %add3A_342 = arith.constant 100 : i32
        %add3A_343 = arith.addi %scan3A_315, %add3A_342 : i32
        %get3A_344 = arith.index_cast %add3A_343 : i32 to index
        %get3A_345 = arith.constant 0 : index
        %get3A_346 = tpu.vector_load %arg11[%get3A_344, %get3A_345] {strides = array<i32>} : memref<200x64xf32, #tpu.memory_space<vmem>>, vector<1x16xf32>,
        %get3A_347 = vector.shape_cast %get3A_346 : vector<1x16xf32> to vector<16xf32>
        %add3A_348 = arith.addf %get3A_347, %get3A_318 : vector<16xf32>
        %swap3A_349 = arith.index_cast %add3A_343 : i32 to index
        %swap3A_350 = arith.constant 0 : index
        %swap3A_351 = tpu.vector_load %arg11[%swap3A_349, %swap3A_350] {strides = array<i32>} : memref<200x64xf32, #tpu.memory_space<vmem>>, vector<1x16xf32>,
        %swap3A_352 = vector.shape_cast %swap3A_351 : vector<1x16xf32> to vector<16xf32>
        %swap3A_353 = vector.shape_cast %add3A_348 : vector<16xf32> to vector<1x16xf32>
        tpu.vector_store %arg11[%swap3A_349, %swap3A_350], %swap3A_353 {strides = array<i32>} : memref<200x64xf32, #tpu.memory_space<vmem>>, vector<1x16xf32>,
        %add3A_354 = arith.constant 150 : i32
        %add3A_355 = arith.addi %scan3A_315, %add3A_354 : i32
        %get3A_356 = arith.index_cast %add3A_355 : i32 to index
        %get3A_357 = arith.constant 0 : index
        %get3A_358 = tpu.vector_load %arg11[%get3A_356, %get3A_357] {strides = array<i32>} : memref<200x64xf32, #tpu.memory_space<vmem>>, vector<1x16xf32>,
        %get3A_359 = vector.shape_cast %get3A_358 : vector<1x16xf32> to vector<16xf32>
        %add3A_360 = arith.addf %get3A_359, %get3A_318 : vector<16xf32>
        %swap3A_361 = arith.index_cast %add3A_355 : i32 to index
        %swap3A_362 = arith.constant 0 : index
        %swap3A_363 = tpu.vector_load %arg11[%swap3A_361, %swap3A_362] {strides = array<i32>} : memref<200x64xf32, #tpu.memory_space<vmem>>, vector<1x16xf32>,
        %swap3A_364 = vector.shape_cast %swap3A_363 : vector<1x16xf32> to vector<16xf32>
        %swap3A_365 = vector.shape_cast %add3A_360 : vector<16xf32> to vector<1x16xf32>
        tpu.vector_store %arg11[%swap3A_361, %swap3A_362], %swap3A_365 {strides = array<i32>} : memref<200x64xf32, #tpu.memory_space<vmem>>, vector<1x16xf32>,
        %get3A_366 = arith.index_cast %scan3A_315 : i32 to index
        %get3A_367 = arith.constant 16 : index
        %get3A_368 = tpu.vector_load %arg7[%get3A_366, %get3A_367] {strides = array<i32>} : memref<50x64xf32, #tpu.memory_space<vmem>>, vector<1x16xf32>,
        %get3A_369 = vector.shape_cast %get3A_368 : vector<1x16xf32> to vector<16xf32>
        %add3A_370 = arith.constant 0 : i32
        %add3A_371 = arith.addi %scan3A_315, %add3A_370 : i32
        %get3A_372 = arith.index_cast %add3A_371 : i32 to index
        %get3A_373 = arith.constant 16 : index
        %get3A_374 = tpu.vector_load %arg11[%get3A_372, %get3A_373] {strides = array<i32>} : memref<200x64xf32, #tpu.memory_space<vmem>>, vector<1x16xf32>,
        %get3A_375 = vector.shape_cast %get3A_374 : vector<1x16xf32> to vector<16xf32>
        %add3A_376 = arith.addf %get3A_375, %get3A_369 : vector<16xf32>
        %swap3A_377 = arith.index_cast %add3A_371 : i32 to index
        %swap3A_378 = arith.constant 16 : index
        %swap3A_379 = tpu.vector_load %arg11[%swap3A_377, %swap3A_378] {strides = array<i32>} : memref<200x64xf32, #tpu.memory_space<vmem>>, vector<1x16xf32>,
        %swap3A_380 = vector.shape_cast %swap3A_379 : vector<1x16xf32> to vector<16xf32>
        %swap3A_381 = vector.shape_cast %add3A_376 : vector<16xf32> to vector<1x16xf32>
        tpu.vector_store %arg11[%swap3A_377, %swap3A_378], %swap3A_381 {strides = array<i32>} : memref<200x64xf32, #tpu.memory_space<vmem>>, vector<1x16xf32>,
        %add3A_382 = arith.constant 50 : i32
        %add3A_383 = arith.addi %scan3A_315, %add3A_382 : i32
        %get3A_384 = arith.index_cast %add3A_383 : i32 to index
        %get3A_385 = arith.constant 16 : index
        %get3A_386 = tpu.vector_load %arg11[%get3A_384, %get3A_385] {strides = array<i32>} : memref<200x64xf32, #tpu.memory_space<vmem>>, vector<1x16xf32>,
        %get3A_387 = vector.shape_cast %get3A_386 : vector<1x16xf32> to vector<16xf32>
        %add3A_388 = arith.addf %get3A_387, %get3A_369 : vector<16xf32>
        %swap3A_389 = arith.index_cast %add3A_383 : i32 to index
        %swap3A_390 = arith.constant 16 : index
        %swap3A_391 = tpu.vector_load %arg11[%swap3A_389, %swap3A_390] {strides = array<i32>} : memref<200x64xf32, #tpu.memory_space<vmem>>, vector<1x16xf32>,
        %swap3A_392 = vector.shape_cast %swap3A_391 : vector<1x16xf32> to vector<16xf32>
        %swap3A_393 = vector.shape_cast %add3A_388 : vector<16xf32> to vector<1x16xf32>
        tpu.vector_store %arg11[%swap3A_389, %swap3A_390], %swap3A_393 {strides = array<i32>} : memref<200x64xf32, #tpu.memory_space<vmem>>, vector<1x16xf32>,
        %add3A_394 = arith.constant 100 : i32
        %add3A_395 = arith.addi %scan3A_315, %add3A_394 : i32
        %get3A_396 = arith.index_cast %add3A_395 : i32 to index
        %get3A_397 = arith.constant 16 : index
        %get3A_398 = tpu.vector_load %arg11[%get3A_396, %get3A_397] {strides = array<i32>} : memref<200x64xf32, #tpu.memory_space<vmem>>, vector<1x16xf32>,
        %get3A_399 = vector.shape_cast %get3A_398 : vector<1x16xf32> to vector<16xf32>
        %add3A_400 = arith.addf %get3A_399, %get3A_369 : vector<16xf32>
        %swap3A_401 = arith.index_cast %add3A_395 : i32 to index
        %swap3A_402 = arith.constant 16 : index
        %swap3A_403 = tpu.vector_load %arg11[%swap3A_401, %swap3A_402] {strides = array<i32>} : memref<200x64xf32, #tpu.memory_space<vmem>>, vector<1x16xf32>,
        %swap3A_404 = vector.shape_cast %swap3A_403 : vector<1x16xf32> to vector<16xf32>
        %swap3A_405 = vector.shape_cast %add3A_400 : vector<16xf32> to vector<1x16xf32>
        tpu.vector_store %arg11[%swap3A_401, %swap3A_402], %swap3A_405 {strides = array<i32>} : memref<200x64xf32, #tpu.memory_space<vmem>>, vector<1x16xf32>,
        %add3A_406 = arith.constant 150 : i32
        %add3A_407 = arith.addi %scan3A_315, %add3A_406 : i32
        %get3A_408 = arith.index_cast %add3A_407 : i32 to index
        %get3A_409 = arith.constant 16 : index
        %get3A_410 = tpu.vector_load %arg11[%get3A_408, %get3A_409] {strides = array<i32>} : memref<200x64xf32, #tpu.memory_space<vmem>>, vector<1x16xf32>,
        %get3A_411 = vector.shape_cast %get3A_410 : vector<1x16xf32> to vector<16xf32>
        %add3A_412 = arith.addf %get3A_411, %get3A_369 : vector<16xf32>
        %swap3A_413 = arith.index_cast %add3A_407 : i32 to index
        %swap3A_414 = arith.constant 16 : index
        %swap3A_415 = tpu.vector_load %arg11[%swap3A_413, %swap3A_414] {strides = array<i32>} : memref<200x64xf32, #tpu.memory_space<vmem>>, vector<1x16xf32>,
        %swap3A_416 = vector.shape_cast %swap3A_415 : vector<1x16xf32> to vector<16xf32>
        %swap3A_417 = vector.shape_cast %add3A_412 : vector<16xf32> to vector<1x16xf32>
        tpu.vector_store %arg11[%swap3A_413, %swap3A_414], %swap3A_417 {strides = array<i32>} : memref<200x64xf32, #tpu.memory_space<vmem>>, vector<1x16xf32>,
        %get3A_418 = arith.index_cast %scan3A_315 : i32 to index
        %get3A_419 = arith.constant 32 : index
        %get3A_420 = tpu.vector_load %arg7[%get3A_418, %get3A_419] {strides = array<i32>} : memref<50x64xf32, #tpu.memory_space<vmem>>, vector<1x16xf32>,
        %get3A_421 = vector.shape_cast %get3A_420 : vector<1x16xf32> to vector<16xf32>
        %add3A_422 = arith.constant 0 : i32
        %add3A_423 = arith.addi %scan3A_315, %add3A_422 : i32
        %get3A_424 = arith.index_cast %add3A_423 : i32 to index
        %get3A_425 = arith.constant 32 : index
        %get3A_426 = tpu.vector_load %arg11[%get3A_424, %get3A_425] {strides = array<i32>} : memref<200x64xf32, #tpu.memory_space<vmem>>, vector<1x16xf32>,
        %get3A_427 = vector.shape_cast %get3A_426 : vector<1x16xf32> to vector<16xf32>
        %add3A_428 = arith.addf %get3A_427, %get3A_421 : vector<16xf32>
        %swap3A_429 = arith.index_cast %add3A_423 : i32 to index
        %swap3A_430 = arith.constant 32 : index
        %swap3A_431 = tpu.vector_load %arg11[%swap3A_429, %swap3A_430] {strides = array<i32>} : memref<200x64xf32, #tpu.memory_space<vmem>>, vector<1x16xf32>,
        %swap3A_432 = vector.shape_cast %swap3A_431 : vector<1x16xf32> to vector<16xf32>
        %swap3A_433 = vector.shape_cast %add3A_428 : vector<16xf32> to vector<1x16xf32>
        tpu.vector_store %arg11[%swap3A_429, %swap3A_430], %swap3A_433 {strides = array<i32>} : memref<200x64xf32, #tpu.memory_space<vmem>>, vector<1x16xf32>,
        %add3A_434 = arith.constant 50 : i32
        %add3A_435 = arith.addi %scan3A_315, %add3A_434 : i32
        %get3A_436 = arith.index_cast %add3A_435 : i32 to index
        %get3A_437 = arith.constant 32 : index
        %get3A_438 = tpu.vector_load %arg11[%get3A_436, %get3A_437] {strides = array<i32>} : memref<200x64xf32, #tpu.memory_space<vmem>>, vector<1x16xf32>,
        %get3A_439 = vector.shape_cast %get3A_438 : vector<1x16xf32> to vector<16xf32>
        %add3A_440 = arith.addf %get3A_439, %get3A_421 : vector<16xf32>
        %swap3A_441 = arith.index_cast %add3A_435 : i32 to index
        %swap3A_442 = arith.constant 32 : index
        %swap3A_443 = tpu.vector_load %arg11[%swap3A_441, %swap3A_442] {strides = array<i32>} : memref<200x64xf32, #tpu.memory_space<vmem>>, vector<1x16xf32>,
        %swap3A_444 = vector.shape_cast %swap3A_443 : vector<1x16xf32> to vector<16xf32>
        %swap3A_445 = vector.shape_cast %add3A_440 : vector<16xf32> to vector<1x16xf32>
        tpu.vector_store %arg11[%swap3A_441, %swap3A_442], %swap3A_445 {strides = array<i32>} : memref<200x64xf32, #tpu.memory_space<vmem>>, vector<1x16xf32>,
        %add3A_446 = arith.constant 100 : i32
        %add3A_447 = arith.addi %scan3A_315, %add3A_446 : i32
        %get3A_448 = arith.index_cast %add3A_447 : i32 to index
        %get3A_449 = arith.constant 32 : index
        %get3A_450 = tpu.vector_load %arg11[%get3A_448, %get3A_449] {strides = array<i32>} : memref<200x64xf32, #tpu.memory_space<vmem>>, vector<1x16xf32>,
        %get3A_451 = vector.shape_cast %get3A_450 : vector<1x16xf32> to vector<16xf32>
        %add3A_452 = arith.addf %get3A_451, %get3A_421 : vector<16xf32>
        %swap3A_453 = arith.index_cast %add3A_447 : i32 to index
        %swap3A_454 = arith.constant 32 : index
        %swap3A_455 = tpu.vector_load %arg11[%swap3A_453, %swap3A_454] {strides = array<i32>} : memref<200x64xf32, #tpu.memory_space<vmem>>, vector<1x16xf32>,
        %swap3A_456 = vector.shape_cast %swap3A_455 : vector<1x16xf32> to vector<16xf32>
        %swap3A_457 = vector.shape_cast %add3A_452 : vector<16xf32> to vector<1x16xf32>
        tpu.vector_store %arg11[%swap3A_453, %swap3A_454], %swap3A_457 {strides = array<i32>} : memref<200x64xf32, #tpu.memory_space<vmem>>, vector<1x16xf32>,
        %add3A_458 = arith.constant 150 : i32
        %add3A_459 = arith.addi %scan3A_315, %add3A_458 : i32
        %get3A_460 = arith.index_cast %add3A_459 : i32 to index
        %get3A_461 = arith.constant 32 : index
        %get3A_462 = tpu.vector_load %arg11[%get3A_460, %get3A_461] {strides = array<i32>} : memref<200x64xf32, #tpu.memory_space<vmem>>, vector<1x16xf32>,
        %get3A_463 = vector.shape_cast %get3A_462 : vector<1x16xf32> to vector<16xf32>
        %add3A_464 = arith.addf %get3A_463, %get3A_421 : vector<16xf32>
        %swap3A_465 = arith.index_cast %add3A_459 : i32 to index
        %swap3A_466 = arith.constant 32 : index
        %swap3A_467 = tpu.vector_load %arg11[%swap3A_465, %swap3A_466] {strides = array<i32>} : memref<200x64xf32, #tpu.memory_space<vmem>>, vector<1x16xf32>,
        %swap3A_468 = vector.shape_cast %swap3A_467 : vector<1x16xf32> to vector<16xf32>
        %swap3A_469 = vector.shape_cast %add3A_464 : vector<16xf32> to vector<1x16xf32>
        tpu.vector_store %arg11[%swap3A_465, %swap3A_466], %swap3A_469 {strides = array<i32>} : memref<200x64xf32, #tpu.memory_space<vmem>>, vector<1x16xf32>,
        %get3A_470 = arith.index_cast %scan3A_315 : i32 to index
        %get3A_471 = arith.constant 48 : index
        %get3A_472 = tpu.vector_load %arg7[%get3A_470, %get3A_471] {strides = array<i32>} : memref<50x64xf32, #tpu.memory_space<vmem>>, vector<1x16xf32>,
        %get3A_473 = vector.shape_cast %get3A_472 : vector<1x16xf32> to vector<16xf32>
        %add3A_474 = arith.constant 0 : i32
        %add3A_475 = arith.addi %scan3A_315, %add3A_474 : i32
        %get3A_476 = arith.index_cast %add3A_475 : i32 to index
        %get3A_477 = arith.constant 48 : index
        %get3A_478 = tpu.vector_load %arg11[%get3A_476, %get3A_477] {strides = array<i32>} : memref<200x64xf32, #tpu.memory_space<vmem>>, vector<1x16xf32>,
        %get3A_479 = vector.shape_cast %get3A_478 : vector<1x16xf32> to vector<16xf32>
        %add3A_480 = arith.addf %get3A_479, %get3A_473 : vector<16xf32>
        %swap3A_481 = arith.index_cast %add3A_475 : i32 to index
        %swap3A_482 = arith.constant 48 : index
        %swap3A_483 = tpu.vector_load %arg11[%swap3A_481, %swap3A_482] {strides = array<i32>} : memref<200x64xf32, #tpu.memory_space<vmem>>, vector<1x16xf32>,
        %swap3A_484 = vector.shape_cast %swap3A_483 : vector<1x16xf32> to vector<16xf32>
        %swap3A_485 = vector.shape_cast %add3A_480 : vector<16xf32> to vector<1x16xf32>
        tpu.vector_store %arg11[%swap3A_481, %swap3A_482], %swap3A_485 {strides = array<i32>} : memref<200x64xf32, #tpu.memory_space<vmem>>, vector<1x16xf32>,
        %add3A_486 = arith.constant 50 : i32
        %add3A_487 = arith.addi %scan3A_315, %add3A_486 : i32
        %get3A_488 = arith.index_cast %add3A_487 : i32 to index
        %get3A_489 = arith.constant 48 : index
        %get3A_490 = tpu.vector_load %arg11[%get3A_488, %get3A_489] {strides = array<i32>} : memref<200x64xf32, #tpu.memory_space<vmem>>, vector<1x16xf32>,
        %get3A_491 = vector.shape_cast %get3A_490 : vector<1x16xf32> to vector<16xf32>
        %add3A_492 = arith.addf %get3A_491, %get3A_473 : vector<16xf32>
        %swap3A_493 = arith.index_cast %add3A_487 : i32 to index
        %swap3A_494 = arith.constant 48 : index
        %swap3A_495 = tpu.vector_load %arg11[%swap3A_493, %swap3A_494] {strides = array<i32>} : memref<200x64xf32, #tpu.memory_space<vmem>>, vector<1x16xf32>,
        %swap3A_496 = vector.shape_cast %swap3A_495 : vector<1x16xf32> to vector<16xf32>
        %swap3A_497 = vector.shape_cast %add3A_492 : vector<16xf32> to vector<1x16xf32>
        tpu.vector_store %arg11[%swap3A_493, %swap3A_494], %swap3A_497 {strides = array<i32>} : memref<200x64xf32, #tpu.memory_space<vmem>>, vector<1x16xf32>,
        %add3A_498 = arith.constant 100 : i32
        %add3A_499 = arith.addi %scan3A_315, %add3A_498 : i32
        %get3A_500 = arith.index_cast %add3A_499 : i32 to index
        %get3A_501 = arith.constant 48 : index
        %get3A_502 = tpu.vector_load %arg11[%get3A_500, %get3A_501] {strides = array<i32>} : memref<200x64xf32, #tpu.memory_space<vmem>>, vector<1x16xf32>,
        %get3A_503 = vector.shape_cast %get3A_502 : vector<1x16xf32> to vector<16xf32>
        %add3A_504 = arith.addf %get3A_503, %get3A_473 : vector<16xf32>
        %swap3A_505 = arith.index_cast %add3A_499 : i32 to index
        %swap3A_506 = arith.constant 48 : index
        %swap3A_507 = tpu.vector_load %arg11[%swap3A_505, %swap3A_506] {strides = array<i32>} : memref<200x64xf32, #tpu.memory_space<vmem>>, vector<1x16xf32>,
        %swap3A_508 = vector.shape_cast %swap3A_507 : vector<1x16xf32> to vector<16xf32>
        %swap3A_509 = vector.shape_cast %add3A_504 : vector<16xf32> to vector<1x16xf32>
        tpu.vector_store %arg11[%swap3A_505, %swap3A_506], %swap3A_509 {strides = array<i32>} : memref<200x64xf32, #tpu.memory_space<vmem>>, vector<1x16xf32>,
        %add3A_510 = arith.constant 150 : i32
        %add3A_511 = arith.addi %scan3A_315, %add3A_510 : i32
        %get3A_512 = arith.index_cast %add3A_511 : i32 to index
        %get3A_513 = arith.constant 48 : index
        %get3A_514 = tpu.vector_load %arg11[%get3A_512, %get3A_513] {strides = array<i32>} : memref<200x64xf32, #tpu.memory_space<vmem>>, vector<1x16xf32>,
        %get3A_515 = vector.shape_cast %get3A_514 : vector<1x16xf32> to vector<16xf32>
        %add3A_516 = arith.addf %get3A_515, %get3A_473 : vector<16xf32>
        %swap3A_517 = arith.index_cast %add3A_511 : i32 to index
        %swap3A_518 = arith.constant 48 : index
        %swap3A_519 = tpu.vector_load %arg11[%swap3A_517, %swap3A_518] {strides = array<i32>} : memref<200x64xf32, #tpu.memory_space<vmem>>, vector<1x16xf32>,
        %swap3A_520 = vector.shape_cast %swap3A_519 : vector<1x16xf32> to vector<16xf32>
        %swap3A_521 = vector.shape_cast %add3A_516 : vector<16xf32> to vector<1x16xf32>
        tpu.vector_store %arg11[%swap3A_517, %swap3A_518], %swap3A_521 {strides = array<i32>} : memref<200x64xf32, #tpu.memory_space<vmem>>, vector<1x16xf32>,
      }
      %scan3A_307 = arith.constant 50 : i32
      %mul3A_308 = arith.constant 200 : i32
      %mul3A_309 = arith.muli %add3A_263, %mul3A_308 : i32
      %add3A_310 = arith.addi %mul3A_2, %mul3A_309 : i32
      %dma_start3A_311 = arith.constant 0 : i32
      %dma_start3A_312 = tpu.memref_slice %arg5[%add3A_310, %dma_start3A_311] : memref<204800x64xf32, #tpu.memory_space<hbm>> -> memref<200x64xf32, #tpu.memory_space<hbm>>
      %dma_start3A_313 = arith.constant 0 : i32
      %dma_start3A_314 = tpu.memref_slice %arg5[%add3A_310, %dma_start3A_313] : memref<204800x64xf32, #tpu.memory_space<hbm>> -> memref<200x64xf32, #tpu.memory_space<hbm>>
      tpu.enqueue_dma source(%arg11 : memref<200x64xf32, #tpu.memory_space<vmem>>) target(%dma_start3A_314 : memref<200x64xf32, #tpu.memory_space<hbm>>) target_semaphore(%arg19 : memref<!tpu.dma_semaphore, #tpu.memory_space<semaphore_mem>>)
    }
    %scan3A_28 = arith.constant 8 : i32
    %add3A_29 = arith.constant 5800 : i32
    %add3A_30 = arith.addi %mul3A_2, %add3A_29 : i32
    %dma_wait3A = arith.constant 0 : i32
    %dma_wait3A_31 = tpu.memref_slice %arg5[%add3A_30, %dma_wait3A] : memref<204800x64xf32, #tpu.memory_space<hbm>> -> memref<200x64xf32, #tpu.memory_space<hbm>>
    %dma_wait3A_32 = arith.constant 0 : i32
    %dma_wait3A_33 = tpu.memref_slice %arg5[%add3A_30, %dma_wait3A_32] : memref<204800x64xf32, #tpu.memory_space<hbm>> -> memref<200x64xf32, #tpu.memory_space<hbm>>
    tpu.wait_dma2 semaphore(%arg17 : memref<!tpu.dma_semaphore, #tpu.memory_space<semaphore_mem>>) src(%arg9 : memref<200x64xf32, #tpu.memory_space<vmem>>) dst(%dma_wait3A_33 : memref<200x64xf32, #tpu.memory_space<hbm>>)
    %add3A_34 = arith.constant 6000 : i32
    %add3A_35 = arith.addi %mul3A_2, %add3A_34 : i32
    %dma_wait3A_36 = arith.constant 0 : i32
    %dma_wait3A_37 = tpu.memref_slice %arg5[%add3A_35, %dma_wait3A_36] : memref<204800x64xf32, #tpu.memory_space<hbm>> -> memref<200x64xf32, #tpu.memory_space<hbm>>
    %dma_wait3A_38 = arith.constant 0 : i32
    %dma_wait3A_39 = tpu.memref_slice %arg5[%add3A_35, %dma_wait3A_38] : memref<204800x64xf32, #tpu.memory_space<hbm>> -> memref<200x64xf32, #tpu.memory_space<hbm>>
    tpu.wait_dma2 semaphore(%arg18 : memref<!tpu.dma_semaphore, #tpu.memory_space<semaphore_mem>>) src(%arg10 : memref<200x64xf32, #tpu.memory_space<vmem>>) dst(%dma_wait3A_39 : memref<200x64xf32, #tpu.memory_space<hbm>>)
    %add3A_40 = arith.constant 6200 : i32
    %add3A_41 = arith.addi %mul3A_2, %add3A_40 : i32
    %dma_wait3A_42 = arith.constant 0 : i32
    %dma_wait3A_43 = tpu.memref_slice %arg5[%add3A_41, %dma_wait3A_42] : memref<204800x64xf32, #tpu.memory_space<hbm>> -> memref<200x64xf32, #tpu.memory_space<hbm>>
    %dma_wait3A_44 = arith.constant 0 : i32
    %dma_wait3A_45 = tpu.memref_slice %arg5[%add3A_41, %dma_wait3A_44] : memref<204800x64xf32, #tpu.memory_space<hbm>> -> memref<200x64xf32, #tpu.memory_space<hbm>>
    tpu.wait_dma2 semaphore(%arg19 : memref<!tpu.dma_semaphore, #tpu.memory_space<semaphore_mem>>) src(%arg11 : memref<200x64xf32, #tpu.memory_space<vmem>>) dst(%dma_wait3A_45 : memref<200x64xf32, #tpu.memory_space<hbm>>)
    return
  }
}

module attributes {stable_mosaic.version = 14 : i64} {
  func.func @body(%arg0: i32, %arg1: memref<64x16384xf32, #tpu.memory_space<vmem>>, %arg2: memref<8192x128xf32, #tpu.memory_space<vmem>>) attributes {dimension_semantics = [#tpu.dimension_semantics<arbitrary>], iteration_bounds = array<i64: 62>, scalar_prefetch = 0 : i64, scratch_operands = 0 : i64, tpu.core_type = #tpu.core_type<tc>, window_params = [{transform_indices = @transform_0, window_bounds = array<i64: 64, 16384>}, {transform_indices = @transform_1, window_bounds = array<i64: 8192, 128>}]} {
    %get3A = arith.constant 0 : index
    %get3A_0 = arith.constant 0 : index
    %get3A_1 = vector.load %arg1[%get3A, %get3A_0] : memref<64x16384xf32, #tpu.memory_space<vmem>>, vector<64x16384xf32>
    %transpose3A = tpu.transpose %get3A_1, [1, 0] : vector<64x16384xf32> -> vector<16384x64xf32>
    %slice3A = vector.extract_strided_slice %transpose3A {offsets = [0, 0], sizes = [8192, 64], strides = [1, 1]} : vector<16384x64xf32> to vector<8192x64xf32>
    %mul3A = arith.constant 8.000000e+00 : f32
    %mul3A_2 = vector.broadcast %mul3A : f32 to vector<8192x64xf32>
    %mul3A_3 = arith.mulf %slice3A, %mul3A_2 : vector<8192x64xf32>
    %swap3A = arith.constant 0 : index
    %swap3A_4 = arith.constant 0 : index
    %swap3A_5 = vector.load %arg2[%swap3A, %swap3A_4] : memref<8192x128xf32, #tpu.memory_space<vmem>>, vector<8192x64xf32>
    tpu.vector_store %arg2[%swap3A, %swap3A_4], %mul3A_3 {strides = array<i32>} : memref<8192x128xf32, #tpu.memory_space<vmem>>, vector<8192x64xf32>,
    %slice3A_6 = vector.extract_strided_slice %transpose3A {offsets = [8192, 0], sizes = [8192, 64], strides = [1, 1]} : vector<16384x64xf32> to vector<8192x64xf32>
    %mul3A_7 = arith.constant 8.000000e+00 : f32
    %mul3A_8 = vector.broadcast %mul3A_7 : f32 to vector<8192x64xf32>
    %mul3A_9 = arith.mulf %slice3A_6, %mul3A_8 : vector<8192x64xf32>
    %swap3A_10 = arith.constant 0 : index
    %swap3A_11 = arith.constant 64 : index
    %swap3A_12 = vector.load %arg2[%swap3A_10, %swap3A_11] : memref<8192x128xf32, #tpu.memory_space<vmem>>, vector<8192x64xf32>
    tpu.vector_store %arg2[%swap3A_10, %swap3A_11], %mul3A_9 {strides = array<i32>} : memref<8192x128xf32, #tpu.memory_space<vmem>>, vector<8192x64xf32>,
    return
  }
  func.func @transform_0(%arg0: i32) -> (i32, i32) {
    %c0_i32 = arith.constant 0 : i32
    %c0_i32_0 = arith.constant 0 : i32
    return %c0_i32, %arg0 : i32, i32
  }
  func.func @transform_1(%arg0: i32) -> (i32, i32) {
    %c0_i32 = arith.constant 0 : i32
    %c0_i32_0 = arith.constant 0 : i32
    return %arg0, %c0_i32 : i32, i32
  }
}

</mosaic_0001>

<sc_bundles>
// kernel: kernel.4.cloned.1.call-start
scs
__scs_entry_jumppad:
0x0: {  	(pc) =	sbr.rel $0x88, $3  }
0x1: {  	(tag) =	ssettag $0x0;
	lr =	simm.s32 $0x1  }
0x2: {  	[smem:$0x3F9E] =	sst lr;
	_ =	strace $0xD0000000  }
0x3: {  	_ = 	snop  }
0x4: {  	_ = 	snop  }
0x5: {  	_ = 	snop  }
0x6: {  	_ = 	snop  }
0x7: {  	_ = 	snop  }
__scs_overlays_trampoline_lowered:
0x8: {  	[smem:$0x3FAD] =	sst s0  }
0x9: {  	[smem:$0x3FAE] =	sst s1  }
0xa: {  	[smem:$0x3FAF] =	sst s2  }
0xb: {  	[smem:$0x3FB0] =	sst s3  }
0xc: {  	[smem:$0x3FB1] =	sst s4  }
0xd: {  	[smem:$0x3FB2] =	sst s5  }
0xe: {  	[smem:$0x3FB3] =	sst s6  }
0xf: {  	[smem:$0x3FB4] =	sst s7  }
0x10: {  	[smem:$0x3FB5] =	sst s8  }
0x11: {  	[smem:$0x3FB6] =	sst s9;
	s0 =	simm.s32 @!p0 $0x0  }
0x12: {  	s1 =	sld [smem:$0x3F9C];
	s0 =	simm.s32 @p0 $0x1  }
0x13: {  	[smem:$0x3FB7] =	sst s0;
	s0 =	simm.s32 @!p1 $0x0  }
0x14: {  	s2 =	sld [smem:$0x3F9B];
	s0 =	simm.s32 @p1 $0x1  }
0x15: {  	[smem:$0x3FB8] =	sst s0;
	s0 =	simm.s32 @!p2 $0x0  }
0x16: {  	s3 =	sld [smem:$0x3FDB];
	s0 =	simm.s32 @p2 $0x1  }
0x17: {  	s4 =	simm.s32 $0x1BF5;
	[smem:$0x3FBA] =	sst s0  }
0x18: {  	s0 =	sld [smem:$0x3F9D];
	_ =	swait.ge [sflag:s4], $0x0  }
0x19: {  	s7 =	sld [smem:$0x3F9E]  }
0x1a: {  	s8 =	sadd.s32 $0xFFFFE003, lr  }
0x1b: {  	s9 =	sadd.s32 $0xFFFFFEF7, lr;
	s5 =	simm.s32 $0xFFFFFFFF;
	p2 =	slt.u32 s8, $0xFFFFF086  }
0x1c: {  	p1 =	slt.u32 s9, $0xF7A;
	s5 =	simm.s32 @!p2 $0x0  }
0x1d: {  	s5 =	simm.s32 @p1 $0x1;
	p0 =	seq.s32 s7, s2  }
0x1e: {  	s7 =	smul.u32 @!p0 $0xF7A, s2;
	p2 =	seq.s32 @!p0 s5, $0x0  }
0x1f: {  	s9 =	smul.u32 $0xF7A, s1;
	s8 =	simm.s32 @!p0 $0x1BF5;
	p2 =	por !p2, p0  }
0x20: {  	[sflag:s8] =	ssyncset.s32 @!p0 $0xFFFFF086;
	s6 =	sadd.s32 @!p0 s3, s7;
	s7 =	simm.s32 @!p0 $0x108  }
0x21: {  	s3 =	sadd.s32 s3, s9;
	s6 =	sadd.s32 @!p0 $0x88, s6;
	s7 =	simm.s32 @p2 $0x1082  }
0x22: {  	[simem:s7], [sflag:s8] =	dma.local @!p0 [hbm:s6], $0xF7A  }
0x23: {  	s9 =	sor.u32 $0xD0000000, s2;
	s6 =	simm.s32 $0x108;
	_ =	swait.ge @!p0 [sflag:s8], $0x0  }
0x24: {  	s3 =	sadd.s32 $0x88, s3;
	s6 =	simm.s32 @!p1 $0x1082;
	[sflag:s4] =	ssyncset.s32 $0xFFFFF086  }
0x25: {  	[simem:s6], [sflag:s4] =	dma.local [hbm:s3], $0xF7A  }
0x26: {  	[smem:$0x3F9E] =	sst s1;
	(tag) =	ssettag s2;
	_ =	strace s9  }
0x27: {  	s1 =	sld [smem:$0x3FAE]  }
0x28: {  	s2 =	sld [smem:$0x3FAF]  }
0x29: {  	s4 =	sld [smem:$0x3FB1]  }
0x2a: {  	p0 =	seq.s32 s5, $0x0;
	s5 =	sld [smem:$0x3FB2]  }
0x2b: {  	s6 =	sld [smem:$0x3FB3]  }
0x2c: {  	s7 =	sld [smem:$0x3FB4]  }
0x2d: {  	s3 =	simm.s32 $0x108;
	s8 =	sld [smem:$0x3FB5]  }
0x2e: {  	s3 =	simm.s32 @!p0 $0x1082;
	s9 =	sld [smem:$0x3FB6]  }
0x2f: {  	lr =	sadd.s32 s0, s3;
	s0 =	sld [smem:$0x3FAD]  }
0x30: {  	s3 =	sld [smem:$0x3FB0]  }
0x31: {  	[smem:$0x3FB9] =	sst s10  }
0x32: {  	s10 =	sld [smem:$0x3FB7];
	_ =	sdelay $0x3  }
0x33: {  	p0 =	seq.s32 s10, $0x1;
	s10 =	sld [smem:$0x3FB9];
	_ =	sdelay $0x3  }
0x34: {  	[smem:$0x3FB9] =	sst s10  }
0x35: {  	s10 =	sld [smem:$0x3FB8];
	_ =	sdelay $0x3  }
0x36: {  	p1 =	seq.s32 s10, $0x1;
	s10 =	sld [smem:$0x3FB9];
	_ =	sdelay $0x3  }
0x37: {  	[smem:$0x3FB9] =	sst s10  }
0x38: {  	s10 =	sld [smem:$0x3FBA]  }
0x39: {  	_ = 	snop;
	(pc) =	sbr.ind lr, $3  }
0x3a: {  	_ = 	snop  }
0x3b: {  	_ = 	snop  }
0x3c: {  	p2 =	seq.s32 s10, $0x1;
	s10 =	sld [smem:$0x3FB9]  }
0x3d: {  	_ =	shalt  }
0x3e: {  	_ =	shalt  }
0x3f: {  	_ =	shalt  }
0x40: {  	_ =	shalt  }
0x41: {  	_ =	shalt  }
0x42: {  	_ =	shalt  }
0x43: {  	_ =	shalt  }
0x44: {  	_ =	shalt  }
0x45: {  	_ =	shalt  }
0x46: {  	_ =	shalt  }
0x47: {  	_ =	shalt  }
0x48: {  	_ =	shalt  }
0x49: {  	_ =	shalt  }
0x4a: {  	_ =	shalt  }
0x4b: {  	_ =	shalt  }
0x4c: {  	_ =	shalt  }
0x4d: {  	_ =	shalt  }
0x4e: {  	_ =	shalt  }
0x4f: {  	_ =	shalt  }
0x50: {  	_ =	shalt  }
0x51: {  	_ =	shalt  }
0x52: {  	_ =	shalt  }
0x53: {  	_ =	shalt  }
0x54: {  	_ =	shalt  }
0x55: {  	_ =	shalt  }
0x56: {  	_ =	shalt  }
0x57: {  	_ =	shalt  }
0x58: {  	_ =	shalt  }
0x59: {  	_ =	shalt  }
0x5a: {  	_ =	shalt  }
0x5b: {  	_ =	shalt  }
0x5c: {  	_ =	shalt  }
0x5d: {  	_ =	shalt  }
0x5e: {  	_ =	shalt  }
0x5f: {  	_ =	shalt  }
0x60: {  	_ =	shalt  }
0x61: {  	_ =	shalt  }
0x62: {  	_ =	shalt  }
0x63: {  	_ =	shalt  }
0x64: {  	_ =	shalt  }
0x65: {  	_ =	shalt  }
0x66: {  	_ =	shalt  }
0x67: {  	_ =	shalt  }
0x68: {  	_ =	shalt  }
0x69: {  	_ =	shalt  }
0x6a: {  	_ =	shalt  }
0x6b: {  	_ =	shalt  }
0x6c: {  	_ =	shalt  }
0x6d: {  	_ =	shalt  }
0x6e: {  	_ =	shalt  }
0x6f: {  	_ =	shalt  }
0x70: {  	_ =	shalt  }
0x71: {  	_ =	shalt  }
0x72: {  	_ =	shalt  }
0x73: {  	_ =	shalt  }
0x74: {  	_ =	shalt  }
0x75: {  	_ =	shalt  }
0x76: {  	_ =	shalt  }
0x77: {  	_ =	shalt  }
0x78: {  	_ =	shalt  }
0x79: {  	_ =	shalt  }
0x7a: {  	_ =	shalt  }
0x7b: {  	_ =	shalt  }
0x7c: {  	_ =	shalt  }
0x7d: {  	_ =	shalt  }
0x7e: {  	_ =	shalt  }
0x7f: {  	_ =	shalt  }
0x80: {  	_ =	shalt  }
0x81: {  	_ =	shalt  }
0x82: {  	_ =	shalt  }
0x83: {  	_ =	shalt  }
0x84: {  	_ =	shalt  }
0x85: {  	_ =	shalt  }
0x86: {  	_ =	shalt  }
0x87: {  	_ =	shalt  }
.Lfunc_end0:
.L_simem_size_0:
called_computation.1_lowered:
.L_overlay_start_0:
0x88: {  	s2 =	sld [smem:$0x3FD9]  }
0x89: {  	s3 =	sld [smem:$0x3FFE];
	_ =	sdelay $0x1  }
0x8a: {  	s1 =	srdreg.scid  }
0x8b: {  	s0 =	sand.u32 $0x1, s1  }
0x8c: {  	s17 =	sshll.u32 s0, $0xA;
	s2 =	sadd.s32 s3, s2  }
0x8d: {  	s2 =	sadd.s32 s2, s17  }
0x8e: {  	[smem:$0x3FC5] =	sst s2  }
0x8f: {  	_ = 	snop  }
0x90: {  	s2 =	sld [smem:$0x3FD0];
	(tm) =	ssettm $0x1  }
0x91: {  	s18 =	sld [smem:$0x3FFB];
	_ =	sdelay $0x3  }
0x92: {  	_ =	strace s18  }
0x93: {  	s3 =	sld [smem:$0x3FFC];
	_ =	sdelay $0x3  }
0x94: {  	_ =	strace s3  }
0x95: {  	s3 =	sld [smem:$0x3FFD];
	_ =	sdelay $0x3  }
0x96: {  	_ =	strace s3  }
0x97: {  	_ =	strace $0x8FFFFFFF  }
0x98: {  	s19 =	sld [smem:$0x3FDB];
	_ =	sdelay $0x1  }
0x99: {  	s4 =	simm.s32 $_scs_section_size  }
0x9a: {  	s5 =	simm.s32 $_size__tile_overlayer_lowered;
	s6 =	simm.s32 $_tile_overlayer_lowered  }
0x9b: {  	s22 =	simm.s32 $0x1BFF;
	s21 =	sshll.u32 s6, $0x1;
	s3 =	sadd.s32 s4, s19  }
0x9c: {  	s7 =	simm.s32 $0x0;
	s20 =	sshll.u32 s5, $0x1;
	s5 =	sadd.s32 s21, s3  }
0x9d: {  	[timem:s7], [sflag:s22] =	dma.local [hbm:s5], s20  }
0x9e: {  	_ =	swait.ge [sflag:s22], s20  }
0x9f: {  	s4 =	ssub.s32 $0x0, s20;
	[sflag:s22] =	ssyncset.done $0x0  }
0xa0: {  	[sflag:s22] =	ssyncadd.s32 s4;
	_ =	sdelay $0x1  }
0xa1: {  	s23 =	simm.s32 $0x1B8B  }
0xa2: {  	_ =	swait.ge [sflag:s23], $0x1  }
0xa3: {  	[sflag:s23] =	ssyncset.done $0x0  }
0xa4: {  	s25 =	simm.s32 $0x1B8E;
	s24 =	sld [smem:$0x3FFE];
	[sflag:s23] =	ssyncadd.s32 $0xFFFFFFFF  }
0xa5: {  	s26 =	simm.s32 $execute0_lowered;
	[smem:$0x3FD2] =	sst s25  }
0xa6: {  	s5 =	sshll.u32 s26, $0x1;
	_ =	strace $0x80000046;
	[dreg:$0x1] =	wrdreg $0xFFFFFFFF  }
0xa7: {  	s28 =	simm.s32 $_size_execute0_lowered;
	s3 =	sadd.s32 s3, s5;
	[dreg:$0x0] =	wrdreg $0x0  }
0xa8: {  	s5 =	sshll.u32 s28, $0x1;
	[dreg:$0x2] =	wrdreg s3  }
0xa9: {  	[dreg:$0x3] =	wrdreg s5  }
0xaa: {  	[dreg:$0x4] =	wrdreg $0xC0  }
0xab: {  	_ =	task [dreg:s7], $0x5FFFF  }
0xac: {  	[dreg:$0x1] =	wrdreg $0xFFFFFFFF  }
0xad: {  	[dreg:$0x0] =	wrdreg $0x60  }
0xae: {  	[dreg:$0x2] =	wrdreg s24  }
0xaf: {  	[dreg:$0x3] =	wrdreg s2  }
0xb0: {  	[dreg:$0x4] =	wrdreg $0x9  }
0xb1: {  	_ =	task.clear_ibuf [dreg:s7], $0x5FFFF;
	_ =	strace $0x90000046  }
0xb2: {  	s29 =	simm.s32 $0x9;
	_ =	strace $0x80000048  }
0xb3: {  	_ =	swait.ge [sflag:s29], $0x1  }
0xb4: {  	[sflag:s29] =	ssyncadd.s32 $0xFFFFFFFF  }
0xb5: {  	_ =	strace $0x90000048  }
0xb6: {  	_ =	sfence  }
0xb7: {  	s30 =	sld [smem:$0x0];
	_ =	sdelay $0x2  }
0xb8: {  	s31 =	sshll.u32 s1, $0xD;
	s1 =	sshrl.u32 s1, $0x2  }
0xb9: {  	s3 =	sand.u32 $0x4000, s31;
	s1 =	sadd.s32 s1, s30  }
0xba: {  	s0 =	sor.u32 s3, s0;
	s1 =	sshll.u32 s1, $0x11  }
0xbb: {  	s0 =	sor.u32 s1, s0  }
0xbc: {  	s0 =	sadd.s32 $0x8F2B, s0  }
0xbd: {  	[sflag:s0] =	ssyncadd.remote.s32 $0x1  }
0xbe: {  	_ =	sfence.sel $0xFFFF  }
0xbf: {  	[dreg:$0x0] =	wrdreg $0xFFFFFFFF;
	(pc) =	sbr.abs _section_cstart, $3  }
0xc0: {  	[dreg:$0x1] =	wrdreg $0xFFFFFFFF  }
0xc1: {  	_ =	task.clear_ibuf [dreg:s7], $0x2FFFF;
	_ =	strace $0x9FFFFFFF  }
0xc2: {  	(tm) =	ssettm $0x7FFFFFFF  }
0xc3: {  	_ =	shalt  }
tec
execute0_lowered:
.L_overlay_start_1:
0x0: {  	(tag) =	ssettag $0x1  }
0x1: {  	s0 =	srdreg.scid  }
0x2: {  	s2 =	stileid.u32;
	s1 =	rddreg [dreg:$0x0]  }
0x3: {  	s9 =	simm.s32 $0x9;
	s11 =	simm.s32 $0x64;
	s12 =	simm.s32 $0x2680  }
0x4: {  	s15 =	simm.s32 $0x5880;
	s16 =	simm.s32 $0x7180;
	s17 =	simm.s32 $0x1  }
0x5: {  	s18 =	simm.s32 $0x8A80;
	s19 =	simm.s32 $0xA380;
	s20 =	simm.s32 $0x2  }
0x6: {  	s21 =	simm.s32 $0xBC80;
	s22 =	simm.s32 $0xD580;
	s23 =	simm.s32 $0x3  }
0x7: {  	s24 =	simm.s32 $0x5;
	s25 =	simm.s32 $0x4;
	s26 =	simm.s32 $0x6  }
0x8: {  	s28 =	simm.s32 $0x7;
	s29 =	simm.s32 $0x8;
	s30 =	simm.s32 $0x0  }
0x9: {  	s0 =	sand.u32 $0x1, s0;
	s3 =	sshll.u32 s2, $0x1;
	s2 =	rddreg [dreg:$0x1]  }
0xa: {  	s6 =	sor.u32 s0, s3;
	s3 =	simm.s32 $0x0;
	s0 =	ssub.s32 $0x2, s0  }
0xb: {  	s4 =	smul.u32 $0x340, s6;
	[smem:$0x7FF] =	sst s3;
	s8 =	sshrl.u32 s0, $0x1  }
0xc: {  	s6 =	smul.u32 $0x1900, s6;
	_ =	strace $0x80000047;
	s0 =	ssub.s32 s0, s8  }
0xd: {  	s7 =	sadd.s32 s4, s1;
	s4 =	sadd.s32 $0x6E00, s1;
	s1 =	sadd.s32 $0x400, s1  }
0xe: {  	s8 =	smax.u32 s0, $0x1;
	[dreg:$0x3] =	wrdreg s1;
	s7 =	sadd.s32 $0x600, s7  }
.LBB2_1:
0xf: {  	[tilespmem:s3], [sflag:$0x9] =	stream.linear.gather [hbm4b:s7+s3], $0x1A00, $0x38;
	[tilespmem:$0xEE80] =	vst v63  }
0x10: {  	_ =	swait.ge [sflag:s9], $0x1A00  }
0x11: {  	[sflag:s9] =	ssyncset.done $0x0  }
0x12: {  	s1 =	simm.s32 $0x1A00;
	s0 =	rddreg [dreg:$0x3];
	[sflag:s9] =	ssyncadd.s32 $0xFFFFE600  }
0x13: {  	[tilespmem:s1], [sflag:$0x9] =	stream.linear.gather [hbm4b:s0+s3], $0xC80, $0x38;
	[tilespmem:$0xEE80] =	vst v63  }
0x14: {  	_ =	swait.ge [sflag:s9], $0xC80  }
0x15: {  	[sflag:s9] =	ssyncset.done $0x0  }
0x16: {  	[sflag:s9] =	ssyncadd.s32 $0xFFFFF380  }
0x17: {  	[tilespmem:s12], [sflag:$0x1] =	stream.indirect.gather [hbm4b:s4+s11], $0x40, s3, s11, $0xb8;
	[tilespmem:$0xEE80] =	vst v63  }
0x18: {  	s13 =	simm.s32 $0x68;
	s14 =	simm.s32 $0x3F80;
	s31 =	simm.s32 $0x0  }
0x19: {  	[tilespmem:s14], [sflag:$0x1] =	stream.indirect.gather [hbm4b:s4+s11], $0x40, s13, s11, $0xb8;
	[tilespmem:$0xEE80] =	vst v63  }
.LBB2_2:
0x1a: {  	s1 =	sshll.u32 s31, $0x2;
	p0 =	seq.s32 s31, $0x0  }
0x1b: {  	s0 =	simm.s32 @!p0 $0x6;
	s10 =	sor.u32 $0x1, s1  }
0x1c: {  	_ =	swait.ge @!p0 [sflag:s0], $0x3200;
	s13 =	smul.u32 $0x340, s10  }
0x1d: {  	[sflag:s0] =	ssyncset.done @!p0 $0x0  }
0x1e: {  	[sflag:s0] =	ssyncadd.s32 @!p0 $0xFFFFCE00;
	s14 =	sshra.s32 s13, $0x2  }
0x1f: {  	[tilespmem:s15], [sflag:$0x2] =	stream.indirect.gather [hbm4b:s4+s11], $0x40, s14, s11, $0xb8;
	[tilespmem:$0xEE80] =	vst v63  }
0x20: {  	s0 =	sadd.s32 $0x68, s14  }
0x21: {  	[tilespmem:s16], [sflag:$0x2] =	stream.indirect.gather [hbm4b:s4+s11], $0x40, s0, s11, $0xb8;
	[tilespmem:$0xEE80] =	vst v63  }
0x22: {  	_ =	swait.ge [sflag:s17], $0x1900  }
0x23: {  	[sflag:s17] =	ssyncset.done $0x0  }
0x24: {  	[sflag:s17] =	ssyncadd.s32 $0xFFFFE700  }
0x25: {  	_ =	swait.ge [sflag:s17], $0x1900  }
0x26: {  	[sflag:s17] =	ssyncset.done $0x0  }
0x27: {  	s0 =	simm.s32 $0x0;
	[sflag:s17] =	ssyncadd.s32 $0xFFFFE700  }
0x28: {  	v2 =	vld [tilespmem:s0+$0x1A00]  }
0x29: {  	v5 =	vld [tilespmem:s0+$0x1A10]  }
0x2a: {  	v1 =	vld [tilespmem:s0+$0x1A20]  }
0x2b: {  	v3 =	vld [tilespmem:s0+$0x2680]  }
0x2c: {  	v4 =	vld [tilespmem:s0+$0x3300]  }
0x2d: {  	v6 =	vld [tilespmem:s0+$0x3F80]  }
0x2e: {  	v7 =	vld [tilespmem:s0+$0x4C00]  }
0x2f: {  	v8 =	vld [tilespmem:s0+$0x2690]  }
0x30: {  	v9 =	vld [tilespmem:s0+$0x3310]  }
0x31: {  	v0 =	vld [tilespmem:s0+$0x1A30];
	v3 =	vadd.f32 v3, v2  }
0x32: {  	v11 =	vld [tilespmem:s0+$0x4C10];
	v4 =	vadd.f32 v4, v2  }
0x33: {  	v10 =	vld [tilespmem:s0+$0x3F90];
	[tilespmem:s0+$0x2680] =	vst v3;
	v3 =	vadd.f32 v6, v2  }
0x34: {  	[tilespmem:s0+$0x3300] =	vst v4;
	v6 =	vld [tilespmem:s0+$0x26A0];
	v2 =	vadd.f32 v7, v2  }
0x35: {  	v7 =	vld [tilespmem:s0+$0x3320];
	v4 =	vadd.f32 v8, v5;
	v8 =	vadd.f32 v9, v5;
	[tilespmem:s0+$0x3F80] =	vst v3  }
0x36: {  	[tilespmem:s0+$0x4C00] =	vst v2;
	v3 =	vld [tilespmem:s0+$0x3FA0]  }
0x37: {  	v2 =	vld [tilespmem:s0+$0x4C20];
	[tilespmem:s0+$0x3310] =	vst v8;
	v8 =	vadd.f32 v11, v5  }
0x38: {  	v9 =	vadd.f32 v10, v5;
	[tilespmem:s0+$0x2690] =	vst v4;
	v4 =	vld [tilespmem:s0+$0x26B0]  }
0x39: {  	v5 =	vld [tilespmem:s0+$0x3330];
	[tilespmem:s0+$0x4C10] =	vst v8;
	v8 =	vadd.f32 v6, v1  }
0x3a: {  	s13 =	simm.s32 $0x100;
	[tilespmem:s0+$0x3F90] =	vst v9;
	v7 =	vadd.f32 v7, v1;
	v6 =	vld [tilespmem:s0+$0x3FB0]  }
.LBB2_3:
0x3b: {  	s14 =	sshra.s32 s13, $0x2;
	p1 =	sne.s32 s13, $0x3100;
	[tilespmem:s0+$0x26A0] =	vst v8;
	v3 =	vadd.f32 v3, v1;
	v8 =	vld [tilespmem:s0+$0x4C30]  }
0x3c: {  	v9 =	vld [tilespmem:s14+$0x1A00];
	[tilespmem:s0+$0x3320] =	vst v7;
	v2 =	vadd.f32 v2, v1  }
0x3d: {  	v7 =	vld [tilespmem:s14+$0x1A10];
	[tilespmem:s0+$0x3FA0] =	vst v3;
	v3 =	vadd.f32 v4, v0  }
0x3e: {  	v1 =	vld [tilespmem:s14+$0x1A20];
	[tilespmem:s0+$0x4C20] =	vst v2;
	v2 =	vadd.f32 v5, v0  }
0x3f: {  	v4 =	vld [tilespmem:s14+$0x1A30];
	[tilespmem:s0+$0x26B0] =	vst v3;
	v3 =	vadd.f32 v6, v0  }
0x40: {  	v5 =	vld [tilespmem:s14+$0x2680];
	[tilespmem:s0+$0x3330] =	vst v2;
	v0 =	vadd.f32 v8, v0  }
0x41: {  	v2 =	vld [tilespmem:s14+$0x3300];
	[tilespmem:s0+$0x3FB0] =	vst v3  }
0x42: {  	v3 =	vld [tilespmem:s14+$0x3F80];
	[tilespmem:s0+$0x4C30] =	vst v0;
	s0 =	smov.u32 s14  }
0x43: {  	v6 =	vld [tilespmem:s0+$0x4C00]  }
0x44: {  	v8 =	vld [tilespmem:s0+$0x2690];
	v0 =	vmov v4  }
0x45: {  	v4 =	vadd.f32 v5, v9;
	v5 =	vld [tilespmem:s0+$0x3310]  }
0x46: {  	v2 =	vadd.f32 v2, v9;
	v10 =	vld [tilespmem:s0+$0x3F90]  }
0x47: {  	[tilespmem:s0+$0x2680] =	vst v4;
	v3 =	vadd.f32 v3, v9;
	v4 =	vld [tilespmem:s0+$0x4C10]  }
0x48: {  	[tilespmem:s0+$0x3300] =	vst v2;
	v2 =	vadd.f32 v6, v9;
	v6 =	vld [tilespmem:s0+$0x26A0]  }
0x49: {  	[tilespmem:s0+$0x3F80] =	vst v3;
	v8 =	vadd.f32 v8, v7;
	v9 =	vld [tilespmem:s0+$0x3320]  }
.Ltmp0:
0x4a: {  	[tilespmem:s0+$0x4C00] =	vst v2;
	v5 =	vadd.f32 v5, v7;
	v3 =	vld [tilespmem:s0+$0x3FA0];
	(pc) =	sbr.rel @p1 .LBB2_3-.Ltmp0, $4  }
0x4b: {  	[tilespmem:s0+$0x2690] =	vst v8;
	v8 =	vadd.f32 v10, v7;
	v2 =	vld [tilespmem:s0+$0x4C20]  }
0x4c: {  	[tilespmem:s0+$0x3310] =	vst v5;
	v7 =	vadd.f32 v4, v7;
	v4 =	vld [tilespmem:s0+$0x26B0]  }
0x4d: {  	[tilespmem:s0+$0x3F90] =	vst v8;
	v8 =	vadd.f32 v6, v1;
	v5 =	vld [tilespmem:s0+$0x3330]  }
0x4e: {  	s13 =	sadd.s32 $0x100, s13;
	[tilespmem:s0+$0x4C10] =	vst v7;
	v7 =	vadd.f32 v9, v1;
	v6 =	vld [tilespmem:s0+$0x3FB0]  }
0x4f: {  	[tilespmem:s0+$0x26A0] =	vst v8;
	v3 =	vadd.f32 v3, v1;
	v8 =	vld [tilespmem:s0+$0x4C30]  }
0x50: {  	[tilespmem:s0+$0x3320] =	vst v7;
	v1 =	vadd.f32 v2, v1  }
0x51: {  	[tilespmem:s0+$0x3FA0] =	vst v3;
	v2 =	vadd.f32 v4, v0  }
0x52: {  	s13 =	smul.u32 $0x320, s31;
	[tilespmem:s0+$0x4C20] =	vst v1;
	v1 =	vadd.f32 v5, v0  }
0x53: {  	[tilespmem:s0+$0x26B0] =	vst v2;
	v2 =	vadd.f32 v6, v0  }
0x54: {  	s13 =	sadd.s32 s6, s13;
	[tilespmem:s0+$0x3330] =	vst v1;
	v0 =	vadd.f32 v8, v0  }
0x55: {  	s13 =	sshll.u32 s13, $0x3;
	[tilespmem:s0+$0x3FB0] =	vst v2  }
0x56: {  	s13 =	sadd.s32 s2, s13;
	[tilespmem:s0+$0x4C30] =	vst v0  }
0x57: {  	[hbm4b:s13+s3] =	stream.linear.scatter [tilespmem:s12], [sflag:$0x5], $0x3200, $0x38;
	[tilespmem:$0xEE80] =	vst v63  }
0x58: {  	s0 =	sor.u32 $0x2, s1;
	s13 =	simm.s32 @!p0 $0x7  }
0x59: {  	s14 =	smul.u32 $0x340, s0;
	_ =	swait.ge @!p0 [sflag:s13], $0x3200  }
0x5a: {  	[sflag:s13] =	ssyncset.done @!p0 $0x0  }
0x5b: {  	s14 =	sshra.s32 s14, $0x2;
	[sflag:s13] =	ssyncadd.s32 @!p0 $0xFFFFCE00  }
0x5c: {  	[tilespmem:s18], [sflag:$0x3] =	stream.indirect.gather [hbm4b:s4+s11], $0x40, s14, s11, $0xb8;
	[tilespmem:$0xEE80] =	vst v63  }
0x5d: {  	s13 =	sadd.s32 $0x68, s14  }
0x5e: {  	[tilespmem:s19], [sflag:$0x3] =	stream.indirect.gather [hbm4b:s4+s11], $0x40, s13, s11, $0xb8;
	[tilespmem:$0xEE80] =	vst v63  }
0x5f: {  	_ =	swait.ge [sflag:s20], $0x1900  }
0x60: {  	[sflag:s20] =	ssyncset.done $0x0  }
0x61: {  	[sflag:s20] =	ssyncadd.s32 $0xFFFFE700  }
0x62: {  	_ =	swait.ge [sflag:s20], $0x1900  }
0x63: {  	[sflag:s20] =	ssyncset.done $0x0  }
0x64: {  	s13 =	simm.s32 $0x0;
	[sflag:s20] =	ssyncadd.s32 $0xFFFFE700  }
0x65: {  	v2 =	vld [tilespmem:s13+$0x1A00]  }
0x66: {  	v5 =	vld [tilespmem:s13+$0x1A10]  }
0x67: {  	v1 =	vld [tilespmem:s13+$0x1A20]  }
0x68: {  	v3 =	vld [tilespmem:s13+$0x5880]  }
0x69: {  	v4 =	vld [tilespmem:s13+$0x6500]  }
0x6a: {  	v6 =	vld [tilespmem:s13+$0x7180]  }
0x6b: {  	v7 =	vld [tilespmem:s13+$0x7E00]  }
0x6c: {  	v8 =	vld [tilespmem:s13+$0x5890]  }
0x6d: {  	v9 =	vld [tilespmem:s13+$0x6510]  }
0x6e: {  	v0 =	vld [tilespmem:s13+$0x1A30];
	v3 =	vadd.f32 v3, v2  }
0x6f: {  	v11 =	vld [tilespmem:s13+$0x7E10];
	v4 =	vadd.f32 v4, v2  }
0x70: {  	v10 =	vld [tilespmem:s13+$0x7190];
	[tilespmem:s13+$0x5880] =	vst v3;
	v3 =	vadd.f32 v6, v2  }
0x71: {  	[tilespmem:s13+$0x6500] =	vst v4;
	v6 =	vld [tilespmem:s13+$0x58A0];
	v2 =	vadd.f32 v7, v2  }
0x72: {  	v7 =	vld [tilespmem:s13+$0x6520];
	v4 =	vadd.f32 v8, v5;
	v8 =	vadd.f32 v9, v5;
	[tilespmem:s13+$0x7180] =	vst v3  }
0x73: {  	[tilespmem:s13+$0x7E00] =	vst v2;
	v3 =	vld [tilespmem:s13+$0x71A0]  }
0x74: {  	v2 =	vld [tilespmem:s13+$0x7E20];
	[tilespmem:s13+$0x6510] =	vst v8;
	v8 =	vadd.f32 v11, v5  }
0x75: {  	v9 =	vadd.f32 v10, v5;
	[tilespmem:s13+$0x5890] =	vst v4;
	v4 =	vld [tilespmem:s13+$0x58B0]  }
0x76: {  	v5 =	vld [tilespmem:s13+$0x6530];
	[tilespmem:s13+$0x7E10] =	vst v8;
	v8 =	vadd.f32 v6, v1  }
0x77: {  	s14 =	simm.s32 $0x100;
	[tilespmem:s13+$0x7190] =	vst v9;
	v7 =	vadd.f32 v7, v1;
	v6 =	vld [tilespmem:s13+$0x71B0]  }
.LBB2_5:
0x78: {  	s5 =	sshra.s32 s14, $0x2;
	p1 =	sne.s32 s14, $0x3100;
	[tilespmem:s13+$0x58A0] =	vst v8;
	v3 =	vadd.f32 v3, v1;
	v8 =	vld [tilespmem:s13+$0x7E30]  }
0x79: {  	v9 =	vld [tilespmem:s5+$0x1A00];
	[tilespmem:s13+$0x6520] =	vst v7;
	v2 =	vadd.f32 v2, v1  }
0x7a: {  	v7 =	vld [tilespmem:s5+$0x1A10];
	[tilespmem:s13+$0x71A0] =	vst v3;
	v3 =	vadd.f32 v4, v0  }
0x7b: {  	v1 =	vld [tilespmem:s5+$0x1A20];
	[tilespmem:s13+$0x7E20] =	vst v2;
	v2 =	vadd.f32 v5, v0  }
0x7c: {  	v4 =	vld [tilespmem:s5+$0x1A30];
	[tilespmem:s13+$0x58B0] =	vst v3;
	v3 =	vadd.f32 v6, v0  }
0x7d: {  	v5 =	vld [tilespmem:s5+$0x5880];
	[tilespmem:s13+$0x6530] =	vst v2;
	v0 =	vadd.f32 v8, v0  }
0x7e: {  	v2 =	vld [tilespmem:s5+$0x6500];
	[tilespmem:s13+$0x71B0] =	vst v3  }
0x7f: {  	v3 =	vld [tilespmem:s5+$0x7180];
	[tilespmem:s13+$0x7E30] =	vst v0;
	s13 =	smov.u32 s5  }
0x80: {  	v6 =	vld [tilespmem:s13+$0x7E00]  }
0x81: {  	v8 =	vld [tilespmem:s13+$0x5890];
	v0 =	vmov v4  }
0x82: {  	v4 =	vadd.f32 v5, v9;
	v5 =	vld [tilespmem:s13+$0x6510]  }
0x83: {  	v2 =	vadd.f32 v2, v9;
	v10 =	vld [tilespmem:s13+$0x7190]  }
0x84: {  	[tilespmem:s13+$0x5880] =	vst v4;
	v3 =	vadd.f32 v3, v9;
	v4 =	vld [tilespmem:s13+$0x7E10]  }
0x85: {  	[tilespmem:s13+$0x6500] =	vst v2;
	v2 =	vadd.f32 v6, v9;
	v6 =	vld [tilespmem:s13+$0x58A0]  }
0x86: {  	[tilespmem:s13+$0x7180] =	vst v3;
	v8 =	vadd.f32 v8, v7;
	v9 =	vld [tilespmem:s13+$0x6520]  }
.Ltmp1:
0x87: {  	[tilespmem:s13+$0x7E00] =	vst v2;
	v5 =	vadd.f32 v5, v7;
	v3 =	vld [tilespmem:s13+$0x71A0];
	(pc) =	sbr.rel @p1 .LBB2_5-.Ltmp1, $4  }
0x88: {  	[tilespmem:s13+$0x5890] =	vst v8;
	v8 =	vadd.f32 v10, v7;
	v2 =	vld [tilespmem:s13+$0x7E20]  }
0x89: {  	[tilespmem:s13+$0x6510] =	vst v5;
	v7 =	vadd.f32 v4, v7;
	v4 =	vld [tilespmem:s13+$0x58B0]  }
0x8a: {  	[tilespmem:s13+$0x7190] =	vst v8;
	v8 =	vadd.f32 v6, v1;
	v5 =	vld [tilespmem:s13+$0x6530]  }
0x8b: {  	s14 =	sadd.s32 $0x100, s14;
	[tilespmem:s13+$0x7E10] =	vst v7;
	v7 =	vadd.f32 v9, v1;
	v6 =	vld [tilespmem:s13+$0x71B0]  }
0x8c: {  	[tilespmem:s13+$0x58A0] =	vst v8;
	v3 =	vadd.f32 v3, v1;
	v8 =	vld [tilespmem:s13+$0x7E30]  }
0x8d: {  	[tilespmem:s13+$0x6520] =	vst v7;
	v1 =	vadd.f32 v2, v1  }
0x8e: {  	s5 =	smul.u32 $0xC8, s10;
	[tilespmem:s13+$0x71A0] =	vst v3;
	v2 =	vadd.f32 v4, v0  }
0x8f: {  	[tilespmem:s13+$0x7E20] =	vst v1;
	v1 =	vadd.f32 v5, v0  }
0x90: {  	s5 =	sadd.s32 s6, s5;
	[tilespmem:s13+$0x58B0] =	vst v2;
	v2 =	vadd.f32 v6, v0  }
0x91: {  	s5 =	sshll.u32 s5, $0x3;
	[tilespmem:s13+$0x6530] =	vst v1;
	v0 =	vadd.f32 v8, v0  }
0x92: {  	s5 =	sand.u32 $0x1FFFFF40, s5;
	[tilespmem:s13+$0x71B0] =	vst v2  }
0x93: {  	s5 =	sadd.s32 s2, s5;
	[tilespmem:s13+$0x7E30] =	vst v0  }
0x94: {  	[hbm4b:s5+s3] =	stream.linear.scatter [tilespmem:s15], [sflag:$0x6], $0x3200, $0x38;
	[tilespmem:$0xEE80] =	vst v63  }
0x95: {  	s1 =	sor.u32 $0x3, s1;
	s5 =	simm.s32 @!p0 $0x8  }
0x96: {  	s13 =	smul.u32 $0x340, s1;
	_ =	swait.ge @!p0 [sflag:s5], $0x3200  }
0x97: {  	[sflag:s5] =	ssyncset.done @!p0 $0x0  }
0x98: {  	s14 =	sshra.s32 s13, $0x2;
	[sflag:s5] =	ssyncadd.s32 @!p0 $0xFFFFCE00  }
0x99: {  	[tilespmem:s21], [sflag:$0x4] =	stream.indirect.gather [hbm4b:s4+s11], $0x40, s14, s11, $0xb8;
	[tilespmem:$0xEE80] =	vst v63  }
0x9a: {  	s5 =	sadd.s32 $0x68, s14  }
0x9b: {  	[tilespmem:s22], [sflag:$0x4] =	stream.indirect.gather [hbm4b:s4+s11], $0x40, s5, s11, $0xb8;
	[tilespmem:$0xEE80] =	vst v63  }
0x9c: {  	_ =	swait.ge [sflag:s23], $0x1900  }
0x9d: {  	[sflag:s23] =	ssyncset.done $0x0  }
0x9e: {  	[sflag:s23] =	ssyncadd.s32 $0xFFFFE700  }
0x9f: {  	_ =	swait.ge [sflag:s23], $0x1900  }
0xa0: {  	[sflag:s23] =	ssyncset.done $0x0  }
0xa1: {  	s10 =	simm.s32 $0x0;
	[sflag:s23] =	ssyncadd.s32 $0xFFFFE700  }
0xa2: {  	v2 =	vld [tilespmem:s10+$0x1A00]  }
0xa3: {  	v5 =	vld [tilespmem:s10+$0x1A10]  }
0xa4: {  	v1 =	vld [tilespmem:s10+$0x1A20]  }
0xa5: {  	v3 =	vld [tilespmem:s10+$0x8A80]  }
0xa6: {  	v4 =	vld [tilespmem:s10+$0x9700]  }
0xa7: {  	v6 =	vld [tilespmem:s10+$0xA380]  }
0xa8: {  	v7 =	vld [tilespmem:s10+$0xB000]  }
0xa9: {  	v8 =	vld [tilespmem:s10+$0x8A90]  }
0xaa: {  	v9 =	vld [tilespmem:s10+$0x9710]  }
0xab: {  	v0 =	vld [tilespmem:s10+$0x1A30];
	v3 =	vadd.f32 v3, v2  }
0xac: {  	v11 =	vld [tilespmem:s10+$0xB010];
	v4 =	vadd.f32 v4, v2  }
0xad: {  	v10 =	vld [tilespmem:s10+$0xA390];
	[tilespmem:s10+$0x8A80] =	vst v3;
	v3 =	vadd.f32 v6, v2  }
0xae: {  	[tilespmem:s10+$0x9700] =	vst v4;
	v6 =	vld [tilespmem:s10+$0x8AA0];
	v2 =	vadd.f32 v7, v2  }
0xaf: {  	v7 =	vld [tilespmem:s10+$0x9720];
	v4 =	vadd.f32 v8, v5;
	v8 =	vadd.f32 v9, v5;
	[tilespmem:s10+$0xA380] =	vst v3  }
0xb0: {  	[tilespmem:s10+$0xB000] =	vst v2;
	v3 =	vld [tilespmem:s10+$0xA3A0]  }
0xb1: {  	v2 =	vld [tilespmem:s10+$0xB020];
	[tilespmem:s10+$0x9710] =	vst v8;
	v8 =	vadd.f32 v11, v5  }
0xb2: {  	v9 =	vadd.f32 v10, v5;
	[tilespmem:s10+$0x8A90] =	vst v4;
	v4 =	vld [tilespmem:s10+$0x8AB0]  }
0xb3: {  	v5 =	vld [tilespmem:s10+$0x9730];
	[tilespmem:s10+$0xB010] =	vst v8;
	v8 =	vadd.f32 v6, v1  }
0xb4: {  	s13 =	simm.s32 $0x100;
	[tilespmem:s10+$0xA390] =	vst v9;
	v7 =	vadd.f32 v7, v1;
	v6 =	vld [tilespmem:s10+$0xA3B0]  }
.LBB2_7:
0xb5: {  	s5 =	sshra.s32 s13, $0x2;
	p0 =	sne.s32 s13, $0x3100;
	[tilespmem:s10+$0x8AA0] =	vst v8;
	v3 =	vadd.f32 v3, v1;
	v8 =	vld [tilespmem:s10+$0xB030]  }
0xb6: {  	v9 =	vld [tilespmem:s5+$0x1A00];
	[tilespmem:s10+$0x9720] =	vst v7;
	v2 =	vadd.f32 v2, v1  }
0xb7: {  	v7 =	vld [tilespmem:s5+$0x1A10];
	[tilespmem:s10+$0xA3A0] =	vst v3;
	v3 =	vadd.f32 v4, v0  }
0xb8: {  	v1 =	vld [tilespmem:s5+$0x1A20];
	[tilespmem:s10+$0xB020] =	vst v2;
	v2 =	vadd.f32 v5, v0  }
0xb9: {  	v4 =	vld [tilespmem:s5+$0x1A30];
	[tilespmem:s10+$0x8AB0] =	vst v3;
	v3 =	vadd.f32 v6, v0  }
0xba: {  	v5 =	vld [tilespmem:s5+$0x8A80];
	[tilespmem:s10+$0x9730] =	vst v2;
	v0 =	vadd.f32 v8, v0  }
0xbb: {  	v2 =	vld [tilespmem:s5+$0x9700];
	[tilespmem:s10+$0xA3B0] =	vst v3  }
0xbc: {  	v3 =	vld [tilespmem:s5+$0xA380];
	[tilespmem:s10+$0xB030] =	vst v0;
	s10 =	smov.u32 s5  }
0xbd: {  	v6 =	vld [tilespmem:s10+$0xB000]  }
0xbe: {  	v8 =	vld [tilespmem:s10+$0x8A90];
	v0 =	vmov v4  }
0xbf: {  	v4 =	vadd.f32 v5, v9;
	v5 =	vld [tilespmem:s10+$0x9710]  }
0xc0: {  	v2 =	vadd.f32 v2, v9;
	v10 =	vld [tilespmem:s10+$0xA390]  }
0xc1: {  	[tilespmem:s10+$0x8A80] =	vst v4;
	v3 =	vadd.f32 v3, v9;
	v4 =	vld [tilespmem:s10+$0xB010]  }
0xc2: {  	[tilespmem:s10+$0x9700] =	vst v2;
	v2 =	vadd.f32 v6, v9;
	v6 =	vld [tilespmem:s10+$0x8AA0]  }
0xc3: {  	[tilespmem:s10+$0xA380] =	vst v3;
	v8 =	vadd.f32 v8, v7;
	v9 =	vld [tilespmem:s10+$0x9720]  }
.Ltmp2:
0xc4: {  	[tilespmem:s10+$0xB000] =	vst v2;
	v5 =	vadd.f32 v5, v7;
	v3 =	vld [tilespmem:s10+$0xA3A0];
	(pc) =	sbr.rel @p0 .LBB2_7-.Ltmp2, $4  }
0xc5: {  	[tilespmem:s10+$0x8A90] =	vst v8;
	v8 =	vadd.f32 v10, v7;
	v2 =	vld [tilespmem:s10+$0xB020]  }
0xc6: {  	[tilespmem:s10+$0x9710] =	vst v5;
	v7 =	vadd.f32 v4, v7;
	v4 =	vld [tilespmem:s10+$0x8AB0]  }
0xc7: {  	[tilespmem:s10+$0xA390] =	vst v8;
	v8 =	vadd.f32 v6, v1;
	v5 =	vld [tilespmem:s10+$0x9730]  }
0xc8: {  	s13 =	sadd.s32 $0x100, s13;
	[tilespmem:s10+$0xB010] =	vst v7;
	v7 =	vadd.f32 v9, v1;
	v6 =	vld [tilespmem:s10+$0xA3B0]  }
0xc9: {  	[tilespmem:s10+$0x8AA0] =	vst v8;
	v3 =	vadd.f32 v3, v1;
	v8 =	vld [tilespmem:s10+$0xB030]  }
0xca: {  	[tilespmem:s10+$0x9720] =	vst v7;
	v1 =	vadd.f32 v2, v1  }
0xcb: {  	s0 =	smul.u32 $0xC8, s0;
	[tilespmem:s10+$0xA3A0] =	vst v3;
	v2 =	vadd.f32 v4, v0  }
0xcc: {  	[tilespmem:s10+$0xB020] =	vst v1;
	v1 =	vadd.f32 v5, v0  }
0xcd: {  	s0 =	sadd.s32 s6, s0;
	[tilespmem:s10+$0x8AB0] =	vst v2;
	v2 =	vadd.f32 v6, v0  }
0xce: {  	s0 =	sshll.u32 s0, $0x3;
	[tilespmem:s10+$0x9730] =	vst v1;
	v0 =	vadd.f32 v8, v0  }
0xcf: {  	s0 =	sand.u32 $0x1FFFFF80, s0;
	[tilespmem:s10+$0xA3B0] =	vst v2  }
0xd0: {  	p0 =	seq.s32 s31, $0x7;
	s0 =	sadd.s32 s2, s0;
	[tilespmem:s10+$0xB030] =	vst v0  }
0xd1: {  	[hbm4b:s0+s3] =	stream.linear.scatter [tilespmem:s18], [sflag:$0x7], $0x3200, $0x38;
	[tilespmem:$0xEE80] =	vst v63  }
0xd2: {  	s0 =	smul.u32 @!p0 $0xD00, s31  }
0xd3: {  	_ =	swait.ge [sflag:s24], $0x3200  }
0xd4: {  	s13 =	simm.s32 @!p0 $0x2680;
	[sflag:s24] =	ssyncset.done $0x0;
	s0 =	sshra.s32 @!p0 s0, $0x2  }
0xd5: {  	s10 =	simm.s32 @!p0 $0x64;
	[sflag:s24] =	ssyncadd.s32 $0xFFFFCE00;
	s5 =	sadd.s32 @!p0 $0x340, s0  }
0xd6: {  	[tilespmem:s13], [sflag:$0x1] =	stream.indirect.gather @!p0 [hbm4b:s4+s10], $0x40, s5, s10, $0xb8;
	[tilespmem:$0xEE80] =	vst v63  }
0xd7: {  	s0 =	sadd.s32 @!p0 $0x3A8, s0;
	s5 =	simm.s32 @!p0 $0x3F80  }
0xd8: {  	[tilespmem:s5], [sflag:$0x1] =	stream.indirect.gather @!p0 [hbm4b:s4+s10], $0x40, s0, s10, $0xb8;
	[tilespmem:$0xEE80] =	vst v63  }
0xd9: {  	_ =	swait.ge [sflag:s25], $0x1900  }
0xda: {  	[sflag:s25] =	ssyncset.done $0x0  }
0xdb: {  	[sflag:s25] =	ssyncadd.s32 $0xFFFFE700  }
0xdc: {  	_ =	swait.ge [sflag:s25], $0x1900  }
0xdd: {  	[sflag:s25] =	ssyncset.done $0x0  }
0xde: {  	s0 =	simm.s32 $0x0;
	[sflag:s25] =	ssyncadd.s32 $0xFFFFE700  }
0xdf: {  	v2 =	vld [tilespmem:s0+$0x1A00]  }
0xe0: {  	v5 =	vld [tilespmem:s0+$0x1A10]  }
0xe1: {  	v1 =	vld [tilespmem:s0+$0x1A20]  }
0xe2: {  	v3 =	vld [tilespmem:s0+$0xBC80]  }
0xe3: {  	v4 =	vld [tilespmem:s0+$0xC900]  }
0xe4: {  	v6 =	vld [tilespmem:s0+$0xD580]  }
0xe5: {  	v7 =	vld [tilespmem:s0+$0xE200]  }
0xe6: {  	v8 =	vld [tilespmem:s0+$0xBC90]  }
0xe7: {  	v9 =	vld [tilespmem:s0+$0xC910]  }
0xe8: {  	v0 =	vld [tilespmem:s0+$0x1A30];
	v3 =	vadd.f32 v3, v2  }
0xe9: {  	v11 =	vld [tilespmem:s0+$0xE210];
	v4 =	vadd.f32 v4, v2  }
0xea: {  	v10 =	vld [tilespmem:s0+$0xD590];
	[tilespmem:s0+$0xBC80] =	vst v3;
	v3 =	vadd.f32 v6, v2  }
0xeb: {  	[tilespmem:s0+$0xC900] =	vst v4;
	v6 =	vld [tilespmem:s0+$0xBCA0];
	v2 =	vadd.f32 v7, v2  }
0xec: {  	v7 =	vld [tilespmem:s0+$0xC920];
	v4 =	vadd.f32 v8, v5;
	v8 =	vadd.f32 v9, v5;
	[tilespmem:s0+$0xD580] =	vst v3  }
0xed: {  	[tilespmem:s0+$0xE200] =	vst v2;
	v3 =	vld [tilespmem:s0+$0xD5A0]  }
0xee: {  	v2 =	vld [tilespmem:s0+$0xE220];
	[tilespmem:s0+$0xC910] =	vst v8;
	v8 =	vadd.f32 v11, v5  }
0xef: {  	v9 =	vadd.f32 v10, v5;
	[tilespmem:s0+$0xBC90] =	vst v4;
	v4 =	vld [tilespmem:s0+$0xBCB0]  }
0xf0: {  	v5 =	vld [tilespmem:s0+$0xC930];
	[tilespmem:s0+$0xE210] =	vst v8;
	v8 =	vadd.f32 v6, v1  }
0xf1: {  	s10 =	simm.s32 $0x100;
	[tilespmem:s0+$0xD590] =	vst v9;
	v7 =	vadd.f32 v7, v1;
	v6 =	vld [tilespmem:s0+$0xD5B0]  }
.LBB2_9:
0xf2: {  	s5 =	sshra.s32 s10, $0x2;
	p0 =	sne.s32 s10, $0x3100;
	[tilespmem:s0+$0xBCA0] =	vst v8;
	v3 =	vadd.f32 v3, v1;
	v8 =	vld [tilespmem:s0+$0xE230]  }
0xf3: {  	v9 =	vld [tilespmem:s5+$0x1A00];
	[tilespmem:s0+$0xC920] =	vst v7;
	v2 =	vadd.f32 v2, v1  }
0xf4: {  	v7 =	vld [tilespmem:s5+$0x1A10];
	[tilespmem:s0+$0xD5A0] =	vst v3;
	v3 =	vadd.f32 v4, v0  }
0xf5: {  	v1 =	vld [tilespmem:s5+$0x1A20];
	[tilespmem:s0+$0xE220] =	vst v2;
	v2 =	vadd.f32 v5, v0  }
0xf6: {  	v4 =	vld [tilespmem:s5+$0x1A30];
	[tilespmem:s0+$0xBCB0] =	vst v3;
	v3 =	vadd.f32 v6, v0  }
0xf7: {  	v5 =	vld [tilespmem:s5+$0xBC80];
	[tilespmem:s0+$0xC930] =	vst v2;
	v0 =	vadd.f32 v8, v0  }
0xf8: {  	v2 =	vld [tilespmem:s5+$0xC900];
	[tilespmem:s0+$0xD5B0] =	vst v3  }
0xf9: {  	v3 =	vld [tilespmem:s5+$0xD580];
	[tilespmem:s0+$0xE230] =	vst v0;
	s0 =	smov.u32 s5  }
0xfa: {  	v6 =	vld [tilespmem:s0+$0xE200]  }
0xfb: {  	v8 =	vld [tilespmem:s0+$0xBC90];
	v0 =	vmov v4  }
0xfc: {  	v4 =	vadd.f32 v5, v9;
	v5 =	vld [tilespmem:s0+$0xC910]  }
0xfd: {  	v2 =	vadd.f32 v2, v9;
	v10 =	vld [tilespmem:s0+$0xD590]  }
0xfe: {  	[tilespmem:s0+$0xBC80] =	vst v4;
	v3 =	vadd.f32 v3, v9;
	v4 =	vld [tilespmem:s0+$0xE210]  }
0xff: {  	[tilespmem:s0+$0xC900] =	vst v2;
	v2 =	vadd.f32 v6, v9;
	v6 =	vld [tilespmem:s0+$0xBCA0]  }
0x100: {  	[tilespmem:s0+$0xD580] =	vst v3;
	v8 =	vadd.f32 v8, v7;
	v9 =	vld [tilespmem:s0+$0xC920]  }
.Ltmp3:
0x101: {  	[tilespmem:s0+$0xE200] =	vst v2;
	v5 =	vadd.f32 v5, v7;
	v3 =	vld [tilespmem:s0+$0xD5A0];
	(pc) =	sbr.rel @p0 .LBB2_9-.Ltmp3, $4  }
0x102: {  	[tilespmem:s0+$0xBC90] =	vst v8;
	v8 =	vadd.f32 v10, v7;
	v2 =	vld [tilespmem:s0+$0xE220]  }
0x103: {  	[tilespmem:s0+$0xC910] =	vst v5;
	v7 =	vadd.f32 v4, v7;
	v4 =	vld [tilespmem:s0+$0xBCB0]  }
0x104: {  	[tilespmem:s0+$0xD590] =	vst v8;
	v8 =	vadd.f32 v6, v1;
	v5 =	vld [tilespmem:s0+$0xC930]  }
0x105: {  	s10 =	sadd.s32 $0x100, s10;
	[tilespmem:s0+$0xE210] =	vst v7;
	v7 =	vadd.f32 v9, v1;
	v6 =	vld [tilespmem:s0+$0xD5B0]  }
0x106: {  	[tilespmem:s0+$0xBCA0] =	vst v8;
	v3 =	vadd.f32 v3, v1;
	v58 =	vld [tilespmem:s0+$0xE230]  }
0x107: {  	[tilespmem:s0+$0xC920] =	vst v7;
	v59 =	vadd.f32 v2, v1  }
0x108: {  	s1 =	smul.u32 $0xC8, s1;
	s31 =	sadd.s32 $0x1, s31;
	[tilespmem:s0+$0xD5A0] =	vst v3;
	v60 =	vadd.f32 v4, v0  }
0x109: {  	p0 =	sne.s32 s31, $0x8;
	[tilespmem:s0+$0xE220] =	vst v59;
	v61 =	vadd.f32 v5, v0  }
.Ltmp4:
0x10a: {  	s1 =	sadd.s32 s6, s1;
	[tilespmem:s0+$0xBCB0] =	vst v60;
	v62 =	vadd.f32 v6, v0;
	(pc) =	sbr.rel @p0 .LBB2_2-.Ltmp4, $4  }
0x10b: {  	s1 =	sshll.u32 s1, $0x3;
	[tilespmem:s0+$0xC930] =	vst v61;
	v63 =	vadd.f32 v58, v0  }
0x10c: {  	s1 =	sand.u32 $0x1FFFFFC0, s1;
	[tilespmem:s0+$0xD5B0] =	vst v62  }
0x10d: {  	s14 =	sadd.s32 s2, s1;
	[tilespmem:s0+$0xE230] =	vst v63  }
0x10e: {  	[hbm4b:s14+s3] =	stream.linear.scatter [tilespmem:s21], [sflag:$0x8], $0x3200, $0x38;
	[tilespmem:$0xEE80] =	vst v63  }
0x10f: {  	_ =	swait.ge [sflag:s26], $0x3200  }
0x110: {  	[sflag:s26] =	ssyncset.done $0x0  }
0x111: {  	s30 =	sadd.s32 $0x1, s30;
	[sflag:s26] =	ssyncadd.s32 $0xFFFFCE00  }
0x112: {  	p0 =	sne.s32 s30, s8;
	_ =	swait.ge [sflag:s28], $0x3200  }
.Ltmp5:
0x113: {  	[sflag:s28] =	ssyncset.done $0x0;
	(pc) =	sbr.rel @p0 .LBB2_1-.Ltmp5, $4  }
0x114: {  	[sflag:s28] =	ssyncadd.s32 $0xFFFFCE00  }
0x115: {  	_ =	swait.ge [sflag:s29], $0x3200  }
0x116: {  	[sflag:s29] =	ssyncset.done $0x0  }
0x117: {  	[sflag:s29] =	ssyncadd.s32 $0xFFFFCE00  }
0x118: {  	_ =	sfence.sel $0x180000  }
0x119: {  	[bflag:$0x0] =	sbarrier.arrive $0xFFFF  }
0x11a: {  	_ =	strace $0x90000047  }
0x11b: {  	s0 =	stileid.u32;
	[bflag:$0x2] =	sbarrier.arrive $0xFFFF  }
0x11c: {  	p0 =	sne.s32 s0, $0x0;
	s0 =	rddreg [dreg:$0x2]  }
0x11d: {  	s0 =	sadd.s32 @!p0 $0x100000, s0  }
0x11e: {  	[sflag:s0] =	ssyncadd.tile.s32 @!p0 $0x1;
	_ =	shalt  }
.Lfunc_end2:
_tile_overlayer_lowered:
.L_overlay_start_2:
0x11f: {  	(tag) =	ssettag $0x2  }
0x120: {  	s0 =	rddreg [dreg:$0x0];
	s2 =	stileid.u32  }
0x121: {  	s1 =	rddreg [dreg:$0x1];
	p0 =	sne.s32 s2, $0x0  }
0x122: {  	s3 =	rddreg [dreg:$0x2];
	[bflag:$0x3] =	sbarrier.arrive $0xFFFF;
	s2 =	simm.s32 @!p0 $0x1C09  }
0x123: {  	[timem:s3], [sflag:s2] =	dma.local @!p0 [hbm:s0], s1  }
0x124: {  	s0 =	simm.s32 @!p0 $0x9  }
0x125: {  	_ =	swait.ge @!p0 [sflag:s0], s1  }
0x126: {  	s1 =	ssub.s32 @!p0 $0x0, s1;
	[sflag:s0] =	ssyncset.done @!p0 $0x0  }
0x127: {  	[sflag:s0] =	ssyncadd.s32 @!p0 s1  }
0x128: {  	[bflag:$0x3] =	sbarrier.arrive $0xFFFF  }
0x129: {  	_ =	shalt  }

// kernel: sparse-core-data-format-call.cloned.1.call-start
scs
called_computation_lowered:
.L_overlay_start_0:
0x0: {  	s2 =	sld [smem:$0x3FD9]  }
0x1: {  	s3 =	sld [smem:$0x3FFE];
	_ =	sdelay $0x1  }
0x2: {  	s1 =	srdreg.scid  }
0x3: {  	s0 =	sand.u32 $0x1, s1  }
0x4: {  	s18 =	sshll.u32 s0, $0xA;
	s2 =	sadd.s32 s3, s2  }
0x5: {  	s2 =	sadd.s32 s2, s18  }
0x6: {  	[smem:$0x3FC5] =	sst s2  }
0x7: {  	_ = 	snop  }
0x8: {  	s2 =	sld [smem:$0x3FD0];
	(tm) =	ssettm $0x1  }
0x9: {  	s19 =	sld [smem:$0x3FFB];
	_ =	sdelay $0x3  }
0xa: {  	_ =	strace s19  }
0xb: {  	s3 =	sld [smem:$0x3FFC];
	_ =	sdelay $0x3  }
0xc: {  	_ =	strace s3  }
0xd: {  	s3 =	sld [smem:$0x3FFD];
	_ =	sdelay $0x3  }
0xe: {  	_ =	strace s3  }
0xf: {  	_ =	strace $0x8FFFFFFF  }
0x10: {  	s20 =	sld [smem:$0x3FDB];
	_ =	sdelay $0x1  }
0x11: {  	s4 =	simm.s32 $_scs_section_size  }
0x12: {  	s5 =	simm.s32 $_size__tile_overlayer_lowered;
	s6 =	simm.s32 $_tile_overlayer_lowered  }
0x13: {  	s23 =	simm.s32 $0x1BFF;
	s22 =	sshll.u32 s6, $0x1;
	s3 =	sadd.s32 s4, s20  }
0x14: {  	s7 =	simm.s32 $0x0;
	s21 =	sshll.u32 s5, $0x1;
	s5 =	sadd.s32 s22, s3  }
0x15: {  	[timem:s7], [sflag:s23] =	dma.local [hbm:s5], s21  }
0x16: {  	_ =	swait.ge [sflag:s23], s21  }
0x17: {  	s4 =	ssub.s32 $0x0, s21;
	[sflag:s23] =	ssyncset.done $0x0  }
0x18: {  	[sflag:s23] =	ssyncadd.s32 s4;
	_ =	sdelay $0x1  }
0x19: {  	s24 =	simm.s32 $0x1B8B  }
0x1a: {  	_ =	swait.ge [sflag:s24], $0x1  }
0x1b: {  	[sflag:s24] =	ssyncset.done $0x0  }
0x1c: {  	s26 =	simm.s32 $0x1B8E;
	s25 =	sld [smem:$0x3FFE];
	[sflag:s24] =	ssyncadd.s32 $0xFFFFFFFF  }
0x1d: {  	s27 =	simm.s32 $execute0_lowered;
	[smem:$0x3FD2] =	sst s26  }
0x1e: {  	s5 =	sshll.u32 s27, $0x1;
	_ =	strace $0x80000049;
	[dreg:$0x1] =	wrdreg $0xFFFFFFFF  }
0x1f: {  	s28 =	simm.s32 $_size_execute0_lowered;
	s3 =	sadd.s32 s3, s5;
	[dreg:$0x0] =	wrdreg $0x0  }
0x20: {  	s5 =	sshll.u32 s28, $0x1;
	[dreg:$0x2] =	wrdreg s3  }
0x21: {  	[dreg:$0x3] =	wrdreg s5  }
0x22: {  	[dreg:$0x4] =	wrdreg $0xC0  }
0x23: {  	_ =	task [dreg:s7], $0x5FFFF  }
0x24: {  	[dreg:$0x1] =	wrdreg $0xFFFFFFFF  }
0x25: {  	[dreg:$0x0] =	wrdreg $0x60  }
0x26: {  	[dreg:$0x2] =	wrdreg s25  }
0x27: {  	[dreg:$0x3] =	wrdreg s2  }
0x28: {  	[dreg:$0x4] =	wrdreg $0x9  }
0x29: {  	_ =	task.clear_ibuf [dreg:s7], $0x5FFFF;
	_ =	strace $0x90000049  }
0x2a: {  	s29 =	simm.s32 $0x9;
	_ =	strace $0x8000004B  }
0x2b: {  	_ =	swait.ge [sflag:s29], $0x1  }
0x2c: {  	[sflag:s29] =	ssyncadd.s32 $0xFFFFFFFF  }
0x2d: {  	_ =	strace $0x9000004B  }
0x2e: {  	_ =	sfence  }
0x2f: {  	s30 =	sld [smem:$0x0];
	_ =	sdelay $0x2  }
0x30: {  	s31 =	sshll.u32 s1, $0xD;
	s1 =	sshrl.u32 s1, $0x2  }
0x31: {  	s3 =	sand.u32 $0x4000, s31;
	s1 =	sadd.s32 s1, s30  }
0x32: {  	s0 =	sor.u32 s3, s0;
	s1 =	sshll.u32 s1, $0x11  }
0x33: {  	s0 =	sor.u32 s1, s0  }
0x34: {  	s0 =	sadd.s32 $0x8F2B, s0  }
0x35: {  	[sflag:s0] =	ssyncadd.remote.s32 $0x1  }
0x36: {  	_ =	sfence.sel $0xFFFF  }
0x37: {  	[dreg:$0x0] =	wrdreg $0xFFFFFFFF;
	(pc) =	sbr.abs _section_cstart, $3  }
0x38: {  	[dreg:$0x1] =	wrdreg $0xFFFFFFFF  }
0x39: {  	_ =	task.clear_ibuf [dreg:s7], $0x2FFFF;
	_ =	strace $0x9FFFFFFF  }
0x3a: {  	(tm) =	ssettm $0x7FFFFFFF  }
0x3b: {  	_ =	shalt  }
tec
execute0_lowered:
.L_overlay_start_1:
0x0: {  	(tag) =	ssettag $0x1  }
0x1: {  	s0 =	srdreg.scid  }
0x2: {  	s1 =	sshll.u32 s0, $0x4  }
0x3: {  	s0 =	stileid.u32;
	s1 =	sand.u32 $0x10, s1  }
0x4: {  	s1 =	sor.u32 s0, s1  }
0x5: {  	s6 =	rddreg [dreg:$0x0];
	s4 =	simm.s32 $0x1;
	s2 =	sshll.u32 s1, $0x7  }
0x6: {  	s7 =	simm.s32 $0x2;
	s12 =	simm.s32 $0x0;
	s1 =	ssub.s32 $0x1000, s2  }
0x7: {  	s8 =	simm.s32 $0x8000;
	s13 =	simm.s32 $0x0;
	s3 =	sand.u32 $0xF80, s1  }
0x8: {  	s9 =	simm.s32 $0x0;
	s5 =	sshrl.u32 s1, $0xC;
	p0 =	sne.s32 s3, $0x0  }
.Ltmp0:
0x9: {  	s1 =	rddreg [dreg:$0x2];
	s4 =	simm.s32 @!p0 $0x0;
	(pc) =	sbr.rel .LBB1_1-.Ltmp0, $4  }
0xa: {  	s11 =	simm.s32 $0x0;
	s3 =	rddreg [dreg:$0x1];
	s5 =	sadd.s32 s4, s5  }
0xb: {  	_ =	strace $0x8000004A;
	s4 =	simm.s32 $0x1;
	s5 =	smul.u32 $0x32, s5  }
0xc: {  	s6 =	sadd.s32 $0x400, s6;
	s10 =	smov.u32 s2;
	[sflag:s4] =	ssyncpa.u1 $0x0  }
0xd: {  	p0 =	por $0x0, $0x0;
	[sflag:s7] =	ssyncpa.u1 $0x0;
	s7 =	sor.u32 $0x1, s5  }
.LBB1_4:
0xe: {  	s16 =	sshll.u32 s13, $0x3;
	s17 =	sand.u32 $0x78, s13  }
0xf: {  	s30 =	sand.u32 $0x7E00, s13;
	s12 =	sshll.u32 s12, $0xF;
	s16 =	sand.u32 $0xC00, s16  }
0x10: {  	[tilespmem:s15+$0x810 ss:$0x81] =	vst.msk $0xffff, v2;
	s31 =	sand.u32 $0x7, s13;
	s16 =	sor.u32 s17, s16;
	s17 =	sadd.s32 s3, s30  }
0x11: {  	[tilespmem:s15+$0x1020 ss:$0x81] =	vst.msk $0xffff, v0;
	s13 =	sshll.u32 s31, $0x12;
	s12 =	sadd.s32 s12, s17;
	s16 =	sshrl.u32 s16, $0x3  }
0x12: {  	[tilespmem:s15+$0x0 ss:$0x81] =	vst.msk $0xffff, v1;
	s13 =	sor.u32 $0x400, s13;
	s12 =	sadd.s32 s16, s12  }
0x13: {  	[hbm4b:s12+s13] =	stream.strided.scatter [tilespmem:s14], [sflag:$0x2], $0x2000, s8, s13, $0x20;
	[tilespmem:$0x8080] =	vst v63  }
.LBB1_5:
0x14: {  	s14 =	sadd.s32 $0x1, s9  }
0x15: {  	s12 =	sadd.s32 $0x1000, s10;
	s16 =	smov.u32 s10;
	p2 =	sgt.s32 s14, $0x31  }
0x16: {  	s16 =	smov.u32 @p2 s12  }
0x17: {  	s14 =	simm.s32 @p2 $0x0;
	p2 =	sgt.s32 s16, $0xFFF  }
0x18: {  	s16 =	smov.u32 @p2 s2;
	p2 =	sne.s32 s11, s7  }
.Ltmp1:
0x19: {  	p1 =	slt.u32 s11, $0x2;
	(pc) =	sbr.rel @!p2 .LBB1_6-.Ltmp1, $4  }
0x1a: {  	s15 =	simm.s32 @!p1 $0x2  }
0x1b: {  	s13 =	smov.u32 s10;
	p0 =	por !p0, !p0;
	_ =	swait.ge @!p1 [sflag:s15], $0x2000  }
0x1c: {  	s12 =	smov.u32 s9;
	[sflag:s15] =	ssyncset.done @!p1 $0x0;
	s9 =	smov.u32 s14  }
0x1d: {  	s11 =	sadd.s32 $0x1, s11;
	[sflag:s15] =	ssyncadd.s32 @!p1 $0xFFFFE000;
	s10 =	smov.u32 s16  }
.LBB1_1:
0x1e: {  	p1 =	sge.u32 s11, s5  }
0x1f: {  	s14 =	sand.u32 @!p1 $0x1FFFFFF, s9  }
0x20: {  	s15 =	smulhi.u32 @!p1 $0x4924925, s14;
	_ =	sdelay $0x1  }
0x21: {  	s15 =	smul.u32 @!p1 $0x38, s15  }
0x22: {  	s16 =	sxor.u32 @!p1 $0xFFFFFFFF, s11;
	s17 =	smul.u32 @!p1 $0x380, s10  }
0x23: {  	s31 =	sadd.s32 $0xFFFFFFFF, s11;
	s16 =	sshll.u32 @!p1 s16, $0xD;
	s14 =	ssub.s32 @!p1 s14, s15  }
0x24: {  	s15 =	sand.u32 @!p1 $0x2000, s16;
	s16 =	sadd.s32 @!p1 s6, s17;
	s14 =	sshll.u32 @!p1 s14, $0x4  }
0x25: {  	s17 =	simm.s32 @!p1 $0x1C00;
	s14 =	sadd.s32 @!p1 s14, s16;
	s16 =	simm.s32 @!p1 $0x40  }
0x26: {  	[tilespmem:s15], [sflag:$0x1] =	stream.strided.gather @!p1 [hbm4b:s14+s16], $0x2000, s17, s16, $0x38;
	[tilespmem:$0x8080] =	vst v63  }
0x27: {  	p1 =	sge.u32 s31, s5  }
.Ltmp2:
0x28: {  	_ = 	snop;
	(pc) =	sbr.rel @p1 .LBB1_5-.Ltmp2, $1  }
0x29: {  	_ =	sdelay $0x3  }
0x2a: {  	s14 =	simm.s32 $0x1  }
0x2b: {  	_ =	swait.ge [sflag:s4], $0x2000;
	s14 =	simm.s32 @!p0 $0x0  }
0x2c: {  	[sflag:s4] =	ssyncset.done $0x0;
	s15 =	sshll.u32 s14, $0xD  }
0x2d: {  	[sflag:s4] =	ssyncadd.s32 $0xFFFFE000;
	s18 =	sor.u32 $0x20, s15  }
0x2e: {  	s14 =	smul.u32 $0x8100, s14;
	v3 =	vld [tilespmem:s18+$0x10]  }
0x2f: {  	s30 =	sand.u32 $0x1, s11;
	v2 =	vld [tilespmem:s18+$0xFFFFFFF0]  }
0x30: {  	s15 =	smul.u32 $0x8100, s30;
	s14 =	sshrl.u32 s14, $0x2;
	v0 =	vld [tilespmem:s18+$0x0]  }
0x31: {  	v1 =	vld [tilespmem:s18+$0xFFFFFFE0];
	s16 =	sor.u32 $0x4000, s14  }
0x32: {  	s31 =	sshrl.u32 s15, $0x2;
	s15 =	sadd.s32 $0x0, s16  }
0x33: {  	s17 =	simm.s32 $0x4;
	s18 =	sadd.s32 $0x40, s18;
	s14 =	sor.u32 $0x4000, s31;
	[tilespmem:s15+$0x1830 ss:$0x81] =	vst.msk $0xffff, v3  }
.LBB1_3:
0x34: {  	v3 =	vld [tilespmem:s18+$0x10];
	p1 =	sne.s32 s17, $0x1FC;
	[tilespmem:s15+$0x810 ss:$0x81] =	vst.msk $0xffff, v2;
	s19 =	smov.u32 s17;
	s17 =	sadd.s32 $0x4, s17  }
.Ltmp3:
0x35: {  	v2 =	vld [tilespmem:s18+$0xFFFFFFF0];
	[tilespmem:s15+$0x1020 ss:$0x81] =	vst.msk $0xffff, v0;
	(pc) =	sbr.rel @p1 .LBB1_3-.Ltmp3, $4  }
0x36: {  	v0 =	vld [tilespmem:s18+$0x0];
	[tilespmem:s15+$0x0 ss:$0x81] =	vst.msk $0xffff, v1  }
0x37: {  	s15 =	sshra.s32 s19, $0x2;
	v1 =	vld [tilespmem:s18+$0xFFFFFFE0]  }
0x38: {  	s15 =	sadd.s32 s15, s16  }
0x39: {  	s18 =	sadd.s32 $0x40, s18;
	[tilespmem:s15+$0x1830 ss:$0x81] =	vst.msk $0xffff, v3  }
.Ltmp4:
0x3a: {  	_ = 	snop;
	(pc) =	sbr.rel .LBB1_4-.Ltmp4, $1  }
0x3b: {  	_ =	sdelay $0x3  }
.LBB1_6:
0x3c: {  	_ =	sfence.sel $0x180000  }
0x3d: {  	s2 =	simm.s32 $0x1;
	[bflag:$0x0] =	sbarrier.arrive $0xFFFF  }
0x3e: {  	s31 =	simm.s32 $0x2;
	[sflag:s2] =	ssyncpa.u1 $0x1  }
0x3f: {  	[sflag:s31] =	ssyncpa.u1 $0x1  }
0x40: {  	p0 =	sne.s32 s0, $0x0;
	_ =	strace $0x9000004A  }
0x41: {  	s0 =	sadd.s32 @!p0 $0x100000, s1;
	[bflag:$0x2] =	sbarrier.arrive $0xFFFF  }
0x42: {  	[sflag:s0] =	ssyncadd.tile.s32 @!p0 $0x1;
	_ =	shalt  }
.Lfunc_end1:
_tile_overlayer_lowered:
.L_overlay_start_2:
0x43: {  	(tag) =	ssettag $0x2  }
0x44: {  	s0 =	rddreg [dreg:$0x0];
	s2 =	stileid.u32  }
0x45: {  	s1 =	rddreg [dreg:$0x1];
	p0 =	sne.s32 s2, $0x0  }
0x46: {  	s3 =	rddreg [dreg:$0x2];
	[bflag:$0x3] =	sbarrier.arrive $0xFFFF;
	s2 =	simm.s32 @!p0 $0x1C01  }
0x47: {  	[timem:s3], [sflag:s2] =	dma.local @!p0 [hbm:s0], s1  }
0x48: {  	s0 =	simm.s32 @!p0 $0x1  }
0x49: {  	_ =	swait.ge @!p0 [sflag:s0], s1  }
0x4a: {  	s1 =	ssub.s32 @!p0 $0x0, s1;
	[sflag:s0] =	ssyncset.done @!p0 $0x0  }
0x4b: {  	[sflag:s0] =	ssyncadd.s32 @!p0 s1  }
0x4c: {  	[bflag:$0x3] =	sbarrier.arrive $0xFFFF  }
0x4d: {  	_ =	shalt  }

</sc_bundles>
